<compile_context>
chip_gen: v7x
topology: tpu7x:2x2x1
jax: 0.10.2.dev20260603
libtpu: 0.0.44.dev20260713+nightly
codegen_flags: <defaults>
</compile_context>

<pallas_src>
import functools

import jax
import jax.numpy as jnp
from jax import lax
from jax.experimental import pallas as pl
from jax.experimental.pallas import tpu as pltpu
from jax.experimental.pallas import tpu_sc as plsc

_N_STATES = 256
_N_OBVS = 100000
_BATCH = 16384

_NC = 2
_NS = 16
_NW = _NC * _NS
_LANES = 16

_CHUNK = 128
_ROWS_PER_W = _BATCH // (_NW * _CHUNK)


def _emission_gather(table_flat, state2d, obs2d):
    mesh = plsc.VectorSubcoreMesh(core_axis_name="c", subcore_axis_name="s")

    @functools.partial(
        pl.kernel,
        mesh=mesh,
        compiler_params=pltpu.CompilerParams(use_tc_tiling_on_sc=False),
        out_type=jax.ShapeDtypeStruct((_BATCH // _CHUNK, _CHUNK), jnp.float32),
        scratch_types=[
            pltpu.VMEM((_ROWS_PER_W, _CHUNK), jnp.int32),
            pltpu.VMEM((_ROWS_PER_W, _CHUNK), jnp.int32),
            pltpu.VMEM((_ROWS_PER_W, _CHUNK), jnp.int32),
            pltpu.VMEM((_ROWS_PER_W, _CHUNK), jnp.float32),
            pltpu.SemaphoreType.DMA,
        ],
    )
    def k(table_hbm, state_hbm, obs_hbm, out_hbm, st_v, ob_v, idx_v, val_v, sem):
        wid = lax.axis_index("s") * _NC + lax.axis_index("c")
        base = wid * _ROWS_PER_W
        pltpu.sync_copy(state_hbm.at[pl.ds(base, _ROWS_PER_W)], st_v)
        pltpu.sync_copy(obs_hbm.at[pl.ds(base, _ROWS_PER_W)], ob_v)
        for j in range(_ROWS_PER_W):
            for t in range(_CHUNK // _LANES):
                sl = pl.ds(t * _LANES, _LANES)
                idx_v[j, sl] = st_v[j, sl] * _N_OBVS + ob_v[j, sl]
        copies = [
            pltpu.async_copy(table_hbm.at[idx_v.at[j]], val_v.at[j], sem)
            for j in range(_ROWS_PER_W)
        ]
        for c in copies:
            c.wait()
        pltpu.sync_copy(val_v, out_hbm.at[pl.ds(base, _ROWS_PER_W)])

    return k(table_flat, state2d, obs2d)


def kernel(log_em, state, obs):
    table_flat = log_em.reshape(-1)
    state2d = state.reshape(_BATCH // _CHUNK, _CHUNK)
    obs2d = obs.reshape(_BATCH // _CHUNK, _CHUNK)
    out2d = _emission_gather(table_flat, state2d, obs2d)
    return out2d.reshape(-1)

# --- scband reference (transcript-rebuilt; emitter-appended) ---
"""Pipeline reference for scband-categorical-emission-52733608460826 (READ-ONLY COPY).

The authoritative reference and input builder live on the scoring server;
editing this copy changes nothing except your own understanding.
"""

import jax, jax.numpy as jnp
import numpy as np

N_STATES = 256
N_OBVS = 100000
BATCH = 16384


def setup_inputs(seed: int = 0) -> dict:
    key = jax.random.key(seed)
    k1, k2, k3 = jax.random.split(key, 3)
    # Parameter: log emission matrix, mimicking CategoricalEmission.__init__
    log_em = jax.random.normal(k1, (N_STATES, N_OBVS), dtype=jnp.float32)
    log_em = log_em.at[0, :].set(-99.0)
    log_em = jax.nn.log_softmax(log_em, axis=1)
    state = jax.random.randint(k2, (BATCH,), 0, N_STATES, dtype=jnp.int32)
    obs = jax.random.randint(k3, (BATCH,), 0, N_OBVS, dtype=jnp.int32)
    return {"log_em": log_em, "state": state, "obs": obs}


def reference(log_em, state, obs):
    # Faithful translation of CategoricalEmission.emission(state, obs)
    # with both state and obs provided: advanced (paired) indexing,
    # i.e. a gather of log_em[state[i], obs[i]] for each i.
    return log_em[state, obs]

if __name__ == "__main__":
    import jax
    _d = setup_inputs()
    print(jax.jit(kernel)(*tuple(_d.values())))

</pallas_src>

<mosaic_0001>
#map = affine_map<(d0, d1) -> (0)>
#map1 = affine_map<(d0, d1) -> (0, 0)>
module attributes {stable_mosaic.version = 14 : i64} {
  func.func @k(%arg0: i32, %arg1: i32, %arg2: memref<25600000xf32, #tpu.memory_space<hbm>>, %arg3: memref<128x128xi32, #tpu.memory_space<hbm>>, %arg4: memref<128x128xi32, #tpu.memory_space<hbm>>, %arg5: memref<128x128xf32, #tpu.memory_space<hbm>>, %arg6: memref<4x128xi32, #tpu.memory_space<vmem>>, %arg7: memref<4x128xi32, #tpu.memory_space<vmem>>, %arg8: memref<4x128xi32, #tpu.memory_space<vmem>>, %arg9: memref<4x128xf32, #tpu.memory_space<vmem>>, %arg10: memref<!tpu.dma_semaphore, #tpu.memory_space<semaphore_mem>>) attributes {dimension_semantics = [#tpu.dimension_semantics<core_parallel>, #tpu.dimension_semantics<subcore_parallel>], iteration_bounds = array<i64: 2, 16>, scalar_prefetch = 0 : i64, scratch_operands = 5 : i64, tpu.core_type = #tpu.core_type<sc_vector_subcore>, window_params = [{transform_indices = #map}, {transform_indices = #map1}, {transform_indices = #map1}, {transform_indices = #map1}]} {
    %mul3A = arith.constant 2 : i32
    %mul3A_0 = arith.muli %arg1, %mul3A : i32
    %add3A = arith.addi %mul3A_0, %arg0 : i32
    %mul3A_1 = arith.constant 4 : i32
    %mul3A_2 = arith.muli %add3A, %mul3A_1 : i32
    "tpu.region"() ({
      %run_scoped3A = tpu.sem_alloc : memref<!tpu.dma_semaphore, #tpu.memory_space<semaphore_mem>>
      %dma_start3A_719 = arith.constant 0 : i32
      %dma_start3A_720 = tpu.memref_slice %arg3[%mul3A_2, %dma_start3A_719] : memref<128x128xi32, #tpu.memory_space<hbm>> -> memref<4x128xi32, #tpu.memory_space<hbm>>
      %dma_start3A_721 = arith.constant 0 : i32
      %dma_start3A_722 = tpu.memref_slice %arg3[%mul3A_2, %dma_start3A_721] : memref<128x128xi32, #tpu.memory_space<hbm>> -> memref<4x128xi32, #tpu.memory_space<hbm>>
      tpu.enqueue_dma source(%dma_start3A_722 : memref<4x128xi32, #tpu.memory_space<hbm>>) target(%arg6 : memref<4x128xi32, #tpu.memory_space<vmem>>) target_semaphore(%run_scoped3A : memref<!tpu.dma_semaphore, #tpu.memory_space<semaphore_mem>>)
      %dma_wait3A_723 = arith.constant 0 : i32
      %dma_wait3A_724 = tpu.memref_slice %arg3[%mul3A_2, %dma_wait3A_723] : memref<128x128xi32, #tpu.memory_space<hbm>> -> memref<4x128xi32, #tpu.memory_space<hbm>>
      %dma_wait3A_725 = arith.constant 0 : i32
      %dma_wait3A_726 = tpu.memref_slice %arg3[%mul3A_2, %dma_wait3A_725] : memref<128x128xi32, #tpu.memory_space<hbm>> -> memref<4x128xi32, #tpu.memory_space<hbm>>
      tpu.wait_dma2 semaphore(%run_scoped3A : memref<!tpu.dma_semaphore, #tpu.memory_space<semaphore_mem>>) src(%dma_wait3A_726 : memref<4x128xi32, #tpu.memory_space<hbm>>) dst(%arg6 : memref<4x128xi32, #tpu.memory_space<vmem>>)
      tpu.yield
    }) : () -> ()
    "tpu.region"() ({
      %run_scoped3A = tpu.sem_alloc : memref<!tpu.dma_semaphore, #tpu.memory_space<semaphore_mem>>
      %dma_start3A_719 = arith.constant 0 : i32
      %dma_start3A_720 = tpu.memref_slice %arg4[%mul3A_2, %dma_start3A_719] : memref<128x128xi32, #tpu.memory_space<hbm>> -> memref<4x128xi32, #tpu.memory_space<hbm>>
      %dma_start3A_721 = arith.constant 0 : i32
      %dma_start3A_722 = tpu.memref_slice %arg4[%mul3A_2, %dma_start3A_721] : memref<128x128xi32, #tpu.memory_space<hbm>> -> memref<4x128xi32, #tpu.memory_space<hbm>>
      tpu.enqueue_dma source(%dma_start3A_722 : memref<4x128xi32, #tpu.memory_space<hbm>>) target(%arg7 : memref<4x128xi32, #tpu.memory_space<vmem>>) target_semaphore(%run_scoped3A : memref<!tpu.dma_semaphore, #tpu.memory_space<semaphore_mem>>)
      %dma_wait3A_723 = arith.constant 0 : i32
      %dma_wait3A_724 = tpu.memref_slice %arg4[%mul3A_2, %dma_wait3A_723] : memref<128x128xi32, #tpu.memory_space<hbm>> -> memref<4x128xi32, #tpu.memory_space<hbm>>
      %dma_wait3A_725 = arith.constant 0 : i32
      %dma_wait3A_726 = tpu.memref_slice %arg4[%mul3A_2, %dma_wait3A_725] : memref<128x128xi32, #tpu.memory_space<hbm>> -> memref<4x128xi32, #tpu.memory_space<hbm>>
      tpu.wait_dma2 semaphore(%run_scoped3A : memref<!tpu.dma_semaphore, #tpu.memory_space<semaphore_mem>>) src(%dma_wait3A_726 : memref<4x128xi32, #tpu.memory_space<hbm>>) dst(%arg7 : memref<4x128xi32, #tpu.memory_space<vmem>>)
      tpu.yield
    }) : () -> ()
    %get3A = arith.constant 0 : i32
    %get3A_3 = arith.index_cast %get3A : i32 to index
    %get3A_4 = arith.constant 0 : index
    %get3A_5 = tpu.vector_load %arg6[%get3A_3, %get3A_4] {strides = array<i32>} : memref<4x128xi32, #tpu.memory_space<vmem>>, vector<1x16xi32>,
    %get3A_6 = vector.shape_cast %get3A_5 : vector<1x16xi32> to vector<16xi32>
    %mul3A_7 = arith.constant 100000 : i32
    %mul3A_8 = vector.broadcast %mul3A_7 : i32 to vector<16xi32>
    %mul3A_9 = arith.muli %get3A_6, %mul3A_8 : vector<16xi32>
    %get3A_10 = arith.constant 0 : i32
    %get3A_11 = arith.index_cast %get3A_10 : i32 to index
    %get3A_12 = arith.constant 0 : index
    %get3A_13 = tpu.vector_load %arg7[%get3A_11, %get3A_12] {strides = array<i32>} : memref<4x128xi32, #tpu.memory_space<vmem>>, vector<1x16xi32>,
    %get3A_14 = vector.shape_cast %get3A_13 : vector<1x16xi32> to vector<16xi32>
    %add3A_15 = arith.addi %mul3A_9, %get3A_14 : vector<16xi32>
    %swap3A = arith.constant 0 : i32
    %swap3A_16 = arith.index_cast %swap3A : i32 to index
    %swap3A_17 = arith.constant 0 : index
    %swap3A_18 = tpu.vector_load %arg8[%swap3A_16, %swap3A_17] {strides = array<i32>} : memref<4x128xi32, #tpu.memory_space<vmem>>, vector<1x16xi32>,
    %swap3A_19 = vector.shape_cast %swap3A_18 : vector<1x16xi32> to vector<16xi32>
    %swap3A_20 = vector.shape_cast %add3A_15 : vector<16xi32> to vector<1x16xi32>
    tpu.vector_store %arg8[%swap3A_16, %swap3A_17], %swap3A_20 {strides = array<i32>} : memref<4x128xi32, #tpu.memory_space<vmem>>, vector<1x16xi32>,
    %get3A_21 = arith.constant 0 : i32
    %get3A_22 = arith.index_cast %get3A_21 : i32 to index
    %get3A_23 = arith.constant 16 : index
    %get3A_24 = tpu.vector_load %arg6[%get3A_22, %get3A_23] {strides = array<i32>} : memref<4x128xi32, #tpu.memory_space<vmem>>, vector<1x16xi32>,
    %get3A_25 = vector.shape_cast %get3A_24 : vector<1x16xi32> to vector<16xi32>
    %mul3A_26 = arith.constant 100000 : i32
    %mul3A_27 = vector.broadcast %mul3A_26 : i32 to vector<16xi32>
    %mul3A_28 = arith.muli %get3A_25, %mul3A_27 : vector<16xi32>
    %get3A_29 = arith.constant 0 : i32
    %get3A_30 = arith.index_cast %get3A_29 : i32 to index
    %get3A_31 = arith.constant 16 : index
    %get3A_32 = tpu.vector_load %arg7[%get3A_30, %get3A_31] {strides = array<i32>} : memref<4x128xi32, #tpu.memory_space<vmem>>, vector<1x16xi32>,
    %get3A_33 = vector.shape_cast %get3A_32 : vector<1x16xi32> to vector<16xi32>
    %add3A_34 = arith.addi %mul3A_28, %get3A_33 : vector<16xi32>
    %swap3A_35 = arith.constant 0 : i32
    %swap3A_36 = arith.index_cast %swap3A_35 : i32 to index
    %swap3A_37 = arith.constant 16 : index
    %swap3A_38 = tpu.vector_load %arg8[%swap3A_36, %swap3A_37] {strides = array<i32>} : memref<4x128xi32, #tpu.memory_space<vmem>>, vector<1x16xi32>,
    %swap3A_39 = vector.shape_cast %swap3A_38 : vector<1x16xi32> to vector<16xi32>
    %swap3A_40 = vector.shape_cast %add3A_34 : vector<16xi32> to vector<1x16xi32>
    tpu.vector_store %arg8[%swap3A_36, %swap3A_37], %swap3A_40 {strides = array<i32>} : memref<4x128xi32, #tpu.memory_space<vmem>>, vector<1x16xi32>,
    %get3A_41 = arith.constant 0 : i32
    %get3A_42 = arith.index_cast %get3A_41 : i32 to index
    %get3A_43 = arith.constant 32 : index
    %get3A_44 = tpu.vector_load %arg6[%get3A_42, %get3A_43] {strides = array<i32>} : memref<4x128xi32, #tpu.memory_space<vmem>>, vector<1x16xi32>,
    %get3A_45 = vector.shape_cast %get3A_44 : vector<1x16xi32> to vector<16xi32>
    %mul3A_46 = arith.constant 100000 : i32
    %mul3A_47 = vector.broadcast %mul3A_46 : i32 to vector<16xi32>
    %mul3A_48 = arith.muli %get3A_45, %mul3A_47 : vector<16xi32>
    %get3A_49 = arith.constant 0 : i32
    %get3A_50 = arith.index_cast %get3A_49 : i32 to index
    %get3A_51 = arith.constant 32 : index
    %get3A_52 = tpu.vector_load %arg7[%get3A_50, %get3A_51] {strides = array<i32>} : memref<4x128xi32, #tpu.memory_space<vmem>>, vector<1x16xi32>,
    %get3A_53 = vector.shape_cast %get3A_52 : vector<1x16xi32> to vector<16xi32>
    %add3A_54 = arith.addi %mul3A_48, %get3A_53 : vector<16xi32>
    %swap3A_55 = arith.constant 0 : i32
    %swap3A_56 = arith.index_cast %swap3A_55 : i32 to index
    %swap3A_57 = arith.constant 32 : index
    %swap3A_58 = tpu.vector_load %arg8[%swap3A_56, %swap3A_57] {strides = array<i32>} : memref<4x128xi32, #tpu.memory_space<vmem>>, vector<1x16xi32>,
    %swap3A_59 = vector.shape_cast %swap3A_58 : vector<1x16xi32> to vector<16xi32>
    %swap3A_60 = vector.shape_cast %add3A_54 : vector<16xi32> to vector<1x16xi32>
    tpu.vector_store %arg8[%swap3A_56, %swap3A_57], %swap3A_60 {strides = array<i32>} : memref<4x128xi32, #tpu.memory_space<vmem>>, vector<1x16xi32>,
    %get3A_61 = arith.constant 0 : i32
    %get3A_62 = arith.index_cast %get3A_61 : i32 to index
    %get3A_63 = arith.constant 48 : index
    %get3A_64 = tpu.vector_load %arg6[%get3A_62, %get3A_63] {strides = array<i32>} : memref<4x128xi32, #tpu.memory_space<vmem>>, vector<1x16xi32>,
    %get3A_65 = vector.shape_cast %get3A_64 : vector<1x16xi32> to vector<16xi32>
    %mul3A_66 = arith.constant 100000 : i32
    %mul3A_67 = vector.broadcast %mul3A_66 : i32 to vector<16xi32>
    %mul3A_68 = arith.muli %get3A_65, %mul3A_67 : vector<16xi32>
    %get3A_69 = arith.constant 0 : i32
    %get3A_70 = arith.index_cast %get3A_69 : i32 to index
    %get3A_71 = arith.constant 48 : index
    %get3A_72 = tpu.vector_load %arg7[%get3A_70, %get3A_71] {strides = array<i32>} : memref<4x128xi32, #tpu.memory_space<vmem>>, vector<1x16xi32>,
    %get3A_73 = vector.shape_cast %get3A_72 : vector<1x16xi32> to vector<16xi32>
    %add3A_74 = arith.addi %mul3A_68, %get3A_73 : vector<16xi32>
    %swap3A_75 = arith.constant 0 : i32
    %swap3A_76 = arith.index_cast %swap3A_75 : i32 to index
    %swap3A_77 = arith.constant 48 : index
    %swap3A_78 = tpu.vector_load %arg8[%swap3A_76, %swap3A_77] {strides = array<i32>} : memref<4x128xi32, #tpu.memory_space<vmem>>, vector<1x16xi32>,
    %swap3A_79 = vector.shape_cast %swap3A_78 : vector<1x16xi32> to vector<16xi32>
    %swap3A_80 = vector.shape_cast %add3A_74 : vector<16xi32> to vector<1x16xi32>
    tpu.vector_store %arg8[%swap3A_76, %swap3A_77], %swap3A_80 {strides = array<i32>} : memref<4x128xi32, #tpu.memory_space<vmem>>, vector<1x16xi32>,
    %get3A_81 = arith.constant 0 : i32
    %get3A_82 = arith.index_cast %get3A_81 : i32 to index
    %get3A_83 = arith.constant 64 : index
    %get3A_84 = tpu.vector_load %arg6[%get3A_82, %get3A_83] {strides = array<i32>} : memref<4x128xi32, #tpu.memory_space<vmem>>, vector<1x16xi32>,
    %get3A_85 = vector.shape_cast %get3A_84 : vector<1x16xi32> to vector<16xi32>
    %mul3A_86 = arith.constant 100000 : i32
    %mul3A_87 = vector.broadcast %mul3A_86 : i32 to vector<16xi32>
    %mul3A_88 = arith.muli %get3A_85, %mul3A_87 : vector<16xi32>
    %get3A_89 = arith.constant 0 : i32
    %get3A_90 = arith.index_cast %get3A_89 : i32 to index
    %get3A_91 = arith.constant 64 : index
    %get3A_92 = tpu.vector_load %arg7[%get3A_90, %get3A_91] {strides = array<i32>} : memref<4x128xi32, #tpu.memory_space<vmem>>, vector<1x16xi32>,
    %get3A_93 = vector.shape_cast %get3A_92 : vector<1x16xi32> to vector<16xi32>
    %add3A_94 = arith.addi %mul3A_88, %get3A_93 : vector<16xi32>
    %swap3A_95 = arith.constant 0 : i32
    %swap3A_96 = arith.index_cast %swap3A_95 : i32 to index
    %swap3A_97 = arith.constant 64 : index
    %swap3A_98 = tpu.vector_load %arg8[%swap3A_96, %swap3A_97] {strides = array<i32>} : memref<4x128xi32, #tpu.memory_space<vmem>>, vector<1x16xi32>,
    %swap3A_99 = vector.shape_cast %swap3A_98 : vector<1x16xi32> to vector<16xi32>
    %swap3A_100 = vector.shape_cast %add3A_94 : vector<16xi32> to vector<1x16xi32>
    tpu.vector_store %arg8[%swap3A_96, %swap3A_97], %swap3A_100 {strides = array<i32>} : memref<4x128xi32, #tpu.memory_space<vmem>>, vector<1x16xi32>,
    %get3A_101 = arith.constant 0 : i32
    %get3A_102 = arith.index_cast %get3A_101 : i32 to index
    %get3A_103 = arith.constant 80 : index
    %get3A_104 = tpu.vector_load %arg6[%get3A_102, %get3A_103] {strides = array<i32>} : memref<4x128xi32, #tpu.memory_space<vmem>>, vector<1x16xi32>,
    %get3A_105 = vector.shape_cast %get3A_104 : vector<1x16xi32> to vector<16xi32>
    %mul3A_106 = arith.constant 100000 : i32
    %mul3A_107 = vector.broadcast %mul3A_106 : i32 to vector<16xi32>
    %mul3A_108 = arith.muli %get3A_105, %mul3A_107 : vector<16xi32>
    %get3A_109 = arith.constant 0 : i32
    %get3A_110 = arith.index_cast %get3A_109 : i32 to index
    %get3A_111 = arith.constant 80 : index
    %get3A_112 = tpu.vector_load %arg7[%get3A_110, %get3A_111] {strides = array<i32>} : memref<4x128xi32, #tpu.memory_space<vmem>>, vector<1x16xi32>,
    %get3A_113 = vector.shape_cast %get3A_112 : vector<1x16xi32> to vector<16xi32>
    %add3A_114 = arith.addi %mul3A_108, %get3A_113 : vector<16xi32>
    %swap3A_115 = arith.constant 0 : i32
    %swap3A_116 = arith.index_cast %swap3A_115 : i32 to index
    %swap3A_117 = arith.constant 80 : index
    %swap3A_118 = tpu.vector_load %arg8[%swap3A_116, %swap3A_117] {strides = array<i32>} : memref<4x128xi32, #tpu.memory_space<vmem>>, vector<1x16xi32>,
    %swap3A_119 = vector.shape_cast %swap3A_118 : vector<1x16xi32> to vector<16xi32>
    %swap3A_120 = vector.shape_cast %add3A_114 : vector<16xi32> to vector<1x16xi32>
    tpu.vector_store %arg8[%swap3A_116, %swap3A_117], %swap3A_120 {strides = array<i32>} : memref<4x128xi32, #tpu.memory_space<vmem>>, vector<1x16xi32>,
    %get3A_121 = arith.constant 0 : i32
    %get3A_122 = arith.index_cast %get3A_121 : i32 to index
    %get3A_123 = arith.constant 96 : index
    %get3A_124 = tpu.vector_load %arg6[%get3A_122, %get3A_123] {strides = array<i32>} : memref<4x128xi32, #tpu.memory_space<vmem>>, vector<1x16xi32>,
    %get3A_125 = vector.shape_cast %get3A_124 : vector<1x16xi32> to vector<16xi32>
    %mul3A_126 = arith.constant 100000 : i32
    %mul3A_127 = vector.broadcast %mul3A_126 : i32 to vector<16xi32>
    %mul3A_128 = arith.muli %get3A_125, %mul3A_127 : vector<16xi32>
    %get3A_129 = arith.constant 0 : i32
    %get3A_130 = arith.index_cast %get3A_129 : i32 to index
    %get3A_131 = arith.constant 96 : index
    %get3A_132 = tpu.vector_load %arg7[%get3A_130, %get3A_131] {strides = array<i32>} : memref<4x128xi32, #tpu.memory_space<vmem>>, vector<1x16xi32>,
    %get3A_133 = vector.shape_cast %get3A_132 : vector<1x16xi32> to vector<16xi32>
    %add3A_134 = arith.addi %mul3A_128, %get3A_133 : vector<16xi32>
    %swap3A_135 = arith.constant 0 : i32
    %swap3A_136 = arith.index_cast %swap3A_135 : i32 to index
    %swap3A_137 = arith.constant 96 : index
    %swap3A_138 = tpu.vector_load %arg8[%swap3A_136, %swap3A_137] {strides = array<i32>} : memref<4x128xi32, #tpu.memory_space<vmem>>, vector<1x16xi32>,
    %swap3A_139 = vector.shape_cast %swap3A_138 : vector<1x16xi32> to vector<16xi32>
    %swap3A_140 = vector.shape_cast %add3A_134 : vector<16xi32> to vector<1x16xi32>
    tpu.vector_store %arg8[%swap3A_136, %swap3A_137], %swap3A_140 {strides = array<i32>} : memref<4x128xi32, #tpu.memory_space<vmem>>, vector<1x16xi32>,
    %get3A_141 = arith.constant 0 : i32
    %get3A_142 = arith.index_cast %get3A_141 : i32 to index
    %get3A_143 = arith.constant 112 : index
    %get3A_144 = tpu.vector_load %arg6[%get3A_142, %get3A_143] {strides = array<i32>} : memref<4x128xi32, #tpu.memory_space<vmem>>, vector<1x16xi32>,
    %get3A_145 = vector.shape_cast %get3A_144 : vector<1x16xi32> to vector<16xi32>
    %mul3A_146 = arith.constant 100000 : i32
    %mul3A_147 = vector.broadcast %mul3A_146 : i32 to vector<16xi32>
    %mul3A_148 = arith.muli %get3A_145, %mul3A_147 : vector<16xi32>
    %get3A_149 = arith.constant 0 : i32
    %get3A_150 = arith.index_cast %get3A_149 : i32 to index
    %get3A_151 = arith.constant 112 : index
    %get3A_152 = tpu.vector_load %arg7[%get3A_150, %get3A_151] {strides = array<i32>} : memref<4x128xi32, #tpu.memory_space<vmem>>, vector<1x16xi32>,
    %get3A_153 = vector.shape_cast %get3A_152 : vector<1x16xi32> to vector<16xi32>
    %add3A_154 = arith.addi %mul3A_148, %get3A_153 : vector<16xi32>
    %swap3A_155 = arith.constant 0 : i32
    %swap3A_156 = arith.index_cast %swap3A_155 : i32 to index
    %swap3A_157 = arith.constant 112 : index
    %swap3A_158 = tpu.vector_load %arg8[%swap3A_156, %swap3A_157] {strides = array<i32>} : memref<4x128xi32, #tpu.memory_space<vmem>>, vector<1x16xi32>,
    %swap3A_159 = vector.shape_cast %swap3A_158 : vector<1x16xi32> to vector<16xi32>
    %swap3A_160 = vector.shape_cast %add3A_154 : vector<16xi32> to vector<1x16xi32>
    tpu.vector_store %arg8[%swap3A_156, %swap3A_157], %swap3A_160 {strides = array<i32>} : memref<4x128xi32, #tpu.memory_space<vmem>>, vector<1x16xi32>,
    %get3A_161 = arith.constant 1 : i32
    %get3A_162 = arith.index_cast %get3A_161 : i32 to index
    %get3A_163 = arith.constant 0 : index
    %get3A_164 = tpu.vector_load %arg6[%get3A_162, %get3A_163] {strides = array<i32>} : memref<4x128xi32, #tpu.memory_space<vmem>>, vector<1x16xi32>,
    %get3A_165 = vector.shape_cast %get3A_164 : vector<1x16xi32> to vector<16xi32>
    %mul3A_166 = arith.constant 100000 : i32
    %mul3A_167 = vector.broadcast %mul3A_166 : i32 to vector<16xi32>
    %mul3A_168 = arith.muli %get3A_165, %mul3A_167 : vector<16xi32>
    %get3A_169 = arith.constant 1 : i32
    %get3A_170 = arith.index_cast %get3A_169 : i32 to index
    %get3A_171 = arith.constant 0 : index
    %get3A_172 = tpu.vector_load %arg7[%get3A_170, %get3A_171] {strides = array<i32>} : memref<4x128xi32, #tpu.memory_space<vmem>>, vector<1x16xi32>,
    %get3A_173 = vector.shape_cast %get3A_172 : vector<1x16xi32> to vector<16xi32>
    %add3A_174 = arith.addi %mul3A_168, %get3A_173 : vector<16xi32>
    %swap3A_175 = arith.constant 1 : i32
    %swap3A_176 = arith.index_cast %swap3A_175 : i32 to index
    %swap3A_177 = arith.constant 0 : index
    %swap3A_178 = tpu.vector_load %arg8[%swap3A_176, %swap3A_177] {strides = array<i32>} : memref<4x128xi32, #tpu.memory_space<vmem>>, vector<1x16xi32>,
    %swap3A_179 = vector.shape_cast %swap3A_178 : vector<1x16xi32> to vector<16xi32>
    %swap3A_180 = vector.shape_cast %add3A_174 : vector<16xi32> to vector<1x16xi32>
    tpu.vector_store %arg8[%swap3A_176, %swap3A_177], %swap3A_180 {strides = array<i32>} : memref<4x128xi32, #tpu.memory_space<vmem>>, vector<1x16xi32>,
    %get3A_181 = arith.constant 1 : i32
    %get3A_182 = arith.index_cast %get3A_181 : i32 to index
    %get3A_183 = arith.constant 16 : index
    %get3A_184 = tpu.vector_load %arg6[%get3A_182, %get3A_183] {strides = array<i32>} : memref<4x128xi32, #tpu.memory_space<vmem>>, vector<1x16xi32>,
    %get3A_185 = vector.shape_cast %get3A_184 : vector<1x16xi32> to vector<16xi32>
    %mul3A_186 = arith.constant 100000 : i32
    %mul3A_187 = vector.broadcast %mul3A_186 : i32 to vector<16xi32>
    %mul3A_188 = arith.muli %get3A_185, %mul3A_187 : vector<16xi32>
    %get3A_189 = arith.constant 1 : i32
    %get3A_190 = arith.index_cast %get3A_189 : i32 to index
    %get3A_191 = arith.constant 16 : index
    %get3A_192 = tpu.vector_load %arg7[%get3A_190, %get3A_191] {strides = array<i32>} : memref<4x128xi32, #tpu.memory_space<vmem>>, vector<1x16xi32>,
    %get3A_193 = vector.shape_cast %get3A_192 : vector<1x16xi32> to vector<16xi32>
    %add3A_194 = arith.addi %mul3A_188, %get3A_193 : vector<16xi32>
    %swap3A_195 = arith.constant 1 : i32
    %swap3A_196 = arith.index_cast %swap3A_195 : i32 to index
    %swap3A_197 = arith.constant 16 : index
    %swap3A_198 = tpu.vector_load %arg8[%swap3A_196, %swap3A_197] {strides = array<i32>} : memref<4x128xi32, #tpu.memory_space<vmem>>, vector<1x16xi32>,
    %swap3A_199 = vector.shape_cast %swap3A_198 : vector<1x16xi32> to vector<16xi32>
    %swap3A_200 = vector.shape_cast %add3A_194 : vector<16xi32> to vector<1x16xi32>
    tpu.vector_store %arg8[%swap3A_196, %swap3A_197], %swap3A_200 {strides = array<i32>} : memref<4x128xi32, #tpu.memory_space<vmem>>, vector<1x16xi32>,
    %get3A_201 = arith.constant 1 : i32
    %get3A_202 = arith.index_cast %get3A_201 : i32 to index
    %get3A_203 = arith.constant 32 : index
    %get3A_204 = tpu.vector_load %arg6[%get3A_202, %get3A_203] {strides = array<i32>} : memref<4x128xi32, #tpu.memory_space<vmem>>, vector<1x16xi32>,
    %get3A_205 = vector.shape_cast %get3A_204 : vector<1x16xi32> to vector<16xi32>
    %mul3A_206 = arith.constant 100000 : i32
    %mul3A_207 = vector.broadcast %mul3A_206 : i32 to vector<16xi32>
    %mul3A_208 = arith.muli %get3A_205, %mul3A_207 : vector<16xi32>
    %get3A_209 = arith.constant 1 : i32
    %get3A_210 = arith.index_cast %get3A_209 : i32 to index
    %get3A_211 = arith.constant 32 : index
    %get3A_212 = tpu.vector_load %arg7[%get3A_210, %get3A_211] {strides = array<i32>} : memref<4x128xi32, #tpu.memory_space<vmem>>, vector<1x16xi32>,
    %get3A_213 = vector.shape_cast %get3A_212 : vector<1x16xi32> to vector<16xi32>
    %add3A_214 = arith.addi %mul3A_208, %get3A_213 : vector<16xi32>
    %swap3A_215 = arith.constant 1 : i32
    %swap3A_216 = arith.index_cast %swap3A_215 : i32 to index
    %swap3A_217 = arith.constant 32 : index
    %swap3A_218 = tpu.vector_load %arg8[%swap3A_216, %swap3A_217] {strides = array<i32>} : memref<4x128xi32, #tpu.memory_space<vmem>>, vector<1x16xi32>,
    %swap3A_219 = vector.shape_cast %swap3A_218 : vector<1x16xi32> to vector<16xi32>
    %swap3A_220 = vector.shape_cast %add3A_214 : vector<16xi32> to vector<1x16xi32>
    tpu.vector_store %arg8[%swap3A_216, %swap3A_217], %swap3A_220 {strides = array<i32>} : memref<4x128xi32, #tpu.memory_space<vmem>>, vector<1x16xi32>,
    %get3A_221 = arith.constant 1 : i32
    %get3A_222 = arith.index_cast %get3A_221 : i32 to index
    %get3A_223 = arith.constant 48 : index
    %get3A_224 = tpu.vector_load %arg6[%get3A_222, %get3A_223] {strides = array<i32>} : memref<4x128xi32, #tpu.memory_space<vmem>>, vector<1x16xi32>,
    %get3A_225 = vector.shape_cast %get3A_224 : vector<1x16xi32> to vector<16xi32>
    %mul3A_226 = arith.constant 100000 : i32
    %mul3A_227 = vector.broadcast %mul3A_226 : i32 to vector<16xi32>
    %mul3A_228 = arith.muli %get3A_225, %mul3A_227 : vector<16xi32>
    %get3A_229 = arith.constant 1 : i32
    %get3A_230 = arith.index_cast %get3A_229 : i32 to index
    %get3A_231 = arith.constant 48 : index
    %get3A_232 = tpu.vector_load %arg7[%get3A_230, %get3A_231] {strides = array<i32>} : memref<4x128xi32, #tpu.memory_space<vmem>>, vector<1x16xi32>,
    %get3A_233 = vector.shape_cast %get3A_232 : vector<1x16xi32> to vector<16xi32>
    %add3A_234 = arith.addi %mul3A_228, %get3A_233 : vector<16xi32>
    %swap3A_235 = arith.constant 1 : i32
    %swap3A_236 = arith.index_cast %swap3A_235 : i32 to index
    %swap3A_237 = arith.constant 48 : index
    %swap3A_238 = tpu.vector_load %arg8[%swap3A_236, %swap3A_237] {strides = array<i32>} : memref<4x128xi32, #tpu.memory_space<vmem>>, vector<1x16xi32>,
    %swap3A_239 = vector.shape_cast %swap3A_238 : vector<1x16xi32> to vector<16xi32>
    %swap3A_240 = vector.shape_cast %add3A_234 : vector<16xi32> to vector<1x16xi32>
    tpu.vector_store %arg8[%swap3A_236, %swap3A_237], %swap3A_240 {strides = array<i32>} : memref<4x128xi32, #tpu.memory_space<vmem>>, vector<1x16xi32>,
    %get3A_241 = arith.constant 1 : i32
    %get3A_242 = arith.index_cast %get3A_241 : i32 to index
    %get3A_243 = arith.constant 64 : index
    %get3A_244 = tpu.vector_load %arg6[%get3A_242, %get3A_243] {strides = array<i32>} : memref<4x128xi32, #tpu.memory_space<vmem>>, vector<1x16xi32>,
    %get3A_245 = vector.shape_cast %get3A_244 : vector<1x16xi32> to vector<16xi32>
    %mul3A_246 = arith.constant 100000 : i32
    %mul3A_247 = vector.broadcast %mul3A_246 : i32 to vector<16xi32>
    %mul3A_248 = arith.muli %get3A_245, %mul3A_247 : vector<16xi32>
    %get3A_249 = arith.constant 1 : i32
    %get3A_250 = arith.index_cast %get3A_249 : i32 to index
    %get3A_251 = arith.constant 64 : index
    %get3A_252 = tpu.vector_load %arg7[%get3A_250, %get3A_251] {strides = array<i32>} : memref<4x128xi32, #tpu.memory_space<vmem>>, vector<1x16xi32>,
    %get3A_253 = vector.shape_cast %get3A_252 : vector<1x16xi32> to vector<16xi32>
    %add3A_254 = arith.addi %mul3A_248, %get3A_253 : vector<16xi32>
    %swap3A_255 = arith.constant 1 : i32
    %swap3A_256 = arith.index_cast %swap3A_255 : i32 to index
    %swap3A_257 = arith.constant 64 : index
    %swap3A_258 = tpu.vector_load %arg8[%swap3A_256, %swap3A_257] {strides = array<i32>} : memref<4x128xi32, #tpu.memory_space<vmem>>, vector<1x16xi32>,
    %swap3A_259 = vector.shape_cast %swap3A_258 : vector<1x16xi32> to vector<16xi32>
    %swap3A_260 = vector.shape_cast %add3A_254 : vector<16xi32> to vector<1x16xi32>
    tpu.vector_store %arg8[%swap3A_256, %swap3A_257], %swap3A_260 {strides = array<i32>} : memref<4x128xi32, #tpu.memory_space<vmem>>, vector<1x16xi32>,
    %get3A_261 = arith.constant 1 : i32
    %get3A_262 = arith.index_cast %get3A_261 : i32 to index
    %get3A_263 = arith.constant 80 : index
    %get3A_264 = tpu.vector_load %arg6[%get3A_262, %get3A_263] {strides = array<i32>} : memref<4x128xi32, #tpu.memory_space<vmem>>, vector<1x16xi32>,
    %get3A_265 = vector.shape_cast %get3A_264 : vector<1x16xi32> to vector<16xi32>
    %mul3A_266 = arith.constant 100000 : i32
    %mul3A_267 = vector.broadcast %mul3A_266 : i32 to vector<16xi32>
    %mul3A_268 = arith.muli %get3A_265, %mul3A_267 : vector<16xi32>
    %get3A_269 = arith.constant 1 : i32
    %get3A_270 = arith.index_cast %get3A_269 : i32 to index
    %get3A_271 = arith.constant 80 : index
    %get3A_272 = tpu.vector_load %arg7[%get3A_270, %get3A_271] {strides = array<i32>} : memref<4x128xi32, #tpu.memory_space<vmem>>, vector<1x16xi32>,
    %get3A_273 = vector.shape_cast %get3A_272 : vector<1x16xi32> to vector<16xi32>
    %add3A_274 = arith.addi %mul3A_268, %get3A_273 : vector<16xi32>
    %swap3A_275 = arith.constant 1 : i32
    %swap3A_276 = arith.index_cast %swap3A_275 : i32 to index
    %swap3A_277 = arith.constant 80 : index
    %swap3A_278 = tpu.vector_load %arg8[%swap3A_276, %swap3A_277] {strides = array<i32>} : memref<4x128xi32, #tpu.memory_space<vmem>>, vector<1x16xi32>,
    %swap3A_279 = vector.shape_cast %swap3A_278 : vector<1x16xi32> to vector<16xi32>
    %swap3A_280 = vector.shape_cast %add3A_274 : vector<16xi32> to vector<1x16xi32>
    tpu.vector_store %arg8[%swap3A_276, %swap3A_277], %swap3A_280 {strides = array<i32>} : memref<4x128xi32, #tpu.memory_space<vmem>>, vector<1x16xi32>,
    %get3A_281 = arith.constant 1 : i32
    %get3A_282 = arith.index_cast %get3A_281 : i32 to index
    %get3A_283 = arith.constant 96 : index
    %get3A_284 = tpu.vector_load %arg6[%get3A_282, %get3A_283] {strides = array<i32>} : memref<4x128xi32, #tpu.memory_space<vmem>>, vector<1x16xi32>,
    %get3A_285 = vector.shape_cast %get3A_284 : vector<1x16xi32> to vector<16xi32>
    %mul3A_286 = arith.constant 100000 : i32
    %mul3A_287 = vector.broadcast %mul3A_286 : i32 to vector<16xi32>
    %mul3A_288 = arith.muli %get3A_285, %mul3A_287 : vector<16xi32>
    %get3A_289 = arith.constant 1 : i32
    %get3A_290 = arith.index_cast %get3A_289 : i32 to index
    %get3A_291 = arith.constant 96 : index
    %get3A_292 = tpu.vector_load %arg7[%get3A_290, %get3A_291] {strides = array<i32>} : memref<4x128xi32, #tpu.memory_space<vmem>>, vector<1x16xi32>,
    %get3A_293 = vector.shape_cast %get3A_292 : vector<1x16xi32> to vector<16xi32>
    %add3A_294 = arith.addi %mul3A_288, %get3A_293 : vector<16xi32>
    %swap3A_295 = arith.constant 1 : i32
    %swap3A_296 = arith.index_cast %swap3A_295 : i32 to index
    %swap3A_297 = arith.constant 96 : index
    %swap3A_298 = tpu.vector_load %arg8[%swap3A_296, %swap3A_297] {strides = array<i32>} : memref<4x128xi32, #tpu.memory_space<vmem>>, vector<1x16xi32>,
    %swap3A_299 = vector.shape_cast %swap3A_298 : vector<1x16xi32> to vector<16xi32>
    %swap3A_300 = vector.shape_cast %add3A_294 : vector<16xi32> to vector<1x16xi32>
    tpu.vector_store %arg8[%swap3A_296, %swap3A_297], %swap3A_300 {strides = array<i32>} : memref<4x128xi32, #tpu.memory_space<vmem>>, vector<1x16xi32>,
    %get3A_301 = arith.constant 1 : i32
    %get3A_302 = arith.index_cast %get3A_301 : i32 to index
    %get3A_303 = arith.constant 112 : index
    %get3A_304 = tpu.vector_load %arg6[%get3A_302, %get3A_303] {strides = array<i32>} : memref<4x128xi32, #tpu.memory_space<vmem>>, vector<1x16xi32>,
    %get3A_305 = vector.shape_cast %get3A_304 : vector<1x16xi32> to vector<16xi32>
    %mul3A_306 = arith.constant 100000 : i32
    %mul3A_307 = vector.broadcast %mul3A_306 : i32 to vector<16xi32>
    %mul3A_308 = arith.muli %get3A_305, %mul3A_307 : vector<16xi32>
    %get3A_309 = arith.constant 1 : i32
    %get3A_310 = arith.index_cast %get3A_309 : i32 to index
    %get3A_311 = arith.constant 112 : index
    %get3A_312 = tpu.vector_load %arg7[%get3A_310, %get3A_311] {strides = array<i32>} : memref<4x128xi32, #tpu.memory_space<vmem>>, vector<1x16xi32>,
    %get3A_313 = vector.shape_cast %get3A_312 : vector<1x16xi32> to vector<16xi32>
    %add3A_314 = arith.addi %mul3A_308, %get3A_313 : vector<16xi32>
    %swap3A_315 = arith.constant 1 : i32
    %swap3A_316 = arith.index_cast %swap3A_315 : i32 to index
    %swap3A_317 = arith.constant 112 : index
    %swap3A_318 = tpu.vector_load %arg8[%swap3A_316, %swap3A_317] {strides = array<i32>} : memref<4x128xi32, #tpu.memory_space<vmem>>, vector<1x16xi32>,
    %swap3A_319 = vector.shape_cast %swap3A_318 : vector<1x16xi32> to vector<16xi32>
    %swap3A_320 = vector.shape_cast %add3A_314 : vector<16xi32> to vector<1x16xi32>
    tpu.vector_store %arg8[%swap3A_316, %swap3A_317], %swap3A_320 {strides = array<i32>} : memref<4x128xi32, #tpu.memory_space<vmem>>, vector<1x16xi32>,
    %get3A_321 = arith.constant 2 : i32
    %get3A_322 = arith.index_cast %get3A_321 : i32 to index
    %get3A_323 = arith.constant 0 : index
    %get3A_324 = tpu.vector_load %arg6[%get3A_322, %get3A_323] {strides = array<i32>} : memref<4x128xi32, #tpu.memory_space<vmem>>, vector<1x16xi32>,
    %get3A_325 = vector.shape_cast %get3A_324 : vector<1x16xi32> to vector<16xi32>
    %mul3A_326 = arith.constant 100000 : i32
    %mul3A_327 = vector.broadcast %mul3A_326 : i32 to vector<16xi32>
    %mul3A_328 = arith.muli %get3A_325, %mul3A_327 : vector<16xi32>
    %get3A_329 = arith.constant 2 : i32
    %get3A_330 = arith.index_cast %get3A_329 : i32 to index
    %get3A_331 = arith.constant 0 : index
    %get3A_332 = tpu.vector_load %arg7[%get3A_330, %get3A_331] {strides = array<i32>} : memref<4x128xi32, #tpu.memory_space<vmem>>, vector<1x16xi32>,
    %get3A_333 = vector.shape_cast %get3A_332 : vector<1x16xi32> to vector<16xi32>
    %add3A_334 = arith.addi %mul3A_328, %get3A_333 : vector<16xi32>
    %swap3A_335 = arith.constant 2 : i32
    %swap3A_336 = arith.index_cast %swap3A_335 : i32 to index
    %swap3A_337 = arith.constant 0 : index
    %swap3A_338 = tpu.vector_load %arg8[%swap3A_336, %swap3A_337] {strides = array<i32>} : memref<4x128xi32, #tpu.memory_space<vmem>>, vector<1x16xi32>,
    %swap3A_339 = vector.shape_cast %swap3A_338 : vector<1x16xi32> to vector<16xi32>
    %swap3A_340 = vector.shape_cast %add3A_334 : vector<16xi32> to vector<1x16xi32>
    tpu.vector_store %arg8[%swap3A_336, %swap3A_337], %swap3A_340 {strides = array<i32>} : memref<4x128xi32, #tpu.memory_space<vmem>>, vector<1x16xi32>,
    %get3A_341 = arith.constant 2 : i32
    %get3A_342 = arith.index_cast %get3A_341 : i32 to index
    %get3A_343 = arith.constant 16 : index
    %get3A_344 = tpu.vector_load %arg6[%get3A_342, %get3A_343] {strides = array<i32>} : memref<4x128xi32, #tpu.memory_space<vmem>>, vector<1x16xi32>,
    %get3A_345 = vector.shape_cast %get3A_344 : vector<1x16xi32> to vector<16xi32>
    %mul3A_346 = arith.constant 100000 : i32
    %mul3A_347 = vector.broadcast %mul3A_346 : i32 to vector<16xi32>
    %mul3A_348 = arith.muli %get3A_345, %mul3A_347 : vector<16xi32>
    %get3A_349 = arith.constant 2 : i32
    %get3A_350 = arith.index_cast %get3A_349 : i32 to index
    %get3A_351 = arith.constant 16 : index
    %get3A_352 = tpu.vector_load %arg7[%get3A_350, %get3A_351] {strides = array<i32>} : memref<4x128xi32, #tpu.memory_space<vmem>>, vector<1x16xi32>,
    %get3A_353 = vector.shape_cast %get3A_352 : vector<1x16xi32> to vector<16xi32>
    %add3A_354 = arith.addi %mul3A_348, %get3A_353 : vector<16xi32>
    %swap3A_355 = arith.constant 2 : i32
    %swap3A_356 = arith.index_cast %swap3A_355 : i32 to index
    %swap3A_357 = arith.constant 16 : index
    %swap3A_358 = tpu.vector_load %arg8[%swap3A_356, %swap3A_357] {strides = array<i32>} : memref<4x128xi32, #tpu.memory_space<vmem>>, vector<1x16xi32>,
    %swap3A_359 = vector.shape_cast %swap3A_358 : vector<1x16xi32> to vector<16xi32>
    %swap3A_360 = vector.shape_cast %add3A_354 : vector<16xi32> to vector<1x16xi32>
    tpu.vector_store %arg8[%swap3A_356, %swap3A_357], %swap3A_360 {strides = array<i32>} : memref<4x128xi32, #tpu.memory_space<vmem>>, vector<1x16xi32>,
    %get3A_361 = arith.constant 2 : i32
    %get3A_362 = arith.index_cast %get3A_361 : i32 to index
    %get3A_363 = arith.constant 32 : index
    %get3A_364 = tpu.vector_load %arg6[%get3A_362, %get3A_363] {strides = array<i32>} : memref<4x128xi32, #tpu.memory_space<vmem>>, vector<1x16xi32>,
    %get3A_365 = vector.shape_cast %get3A_364 : vector<1x16xi32> to vector<16xi32>
    %mul3A_366 = arith.constant 100000 : i32
    %mul3A_367 = vector.broadcast %mul3A_366 : i32 to vector<16xi32>
    %mul3A_368 = arith.muli %get3A_365, %mul3A_367 : vector<16xi32>
    %get3A_369 = arith.constant 2 : i32
    %get3A_370 = arith.index_cast %get3A_369 : i32 to index
    %get3A_371 = arith.constant 32 : index
    %get3A_372 = tpu.vector_load %arg7[%get3A_370, %get3A_371] {strides = array<i32>} : memref<4x128xi32, #tpu.memory_space<vmem>>, vector<1x16xi32>,
    %get3A_373 = vector.shape_cast %get3A_372 : vector<1x16xi32> to vector<16xi32>
    %add3A_374 = arith.addi %mul3A_368, %get3A_373 : vector<16xi32>
    %swap3A_375 = arith.constant 2 : i32
    %swap3A_376 = arith.index_cast %swap3A_375 : i32 to index
    %swap3A_377 = arith.constant 32 : index
    %swap3A_378 = tpu.vector_load %arg8[%swap3A_376, %swap3A_377] {strides = array<i32>} : memref<4x128xi32, #tpu.memory_space<vmem>>, vector<1x16xi32>,
    %swap3A_379 = vector.shape_cast %swap3A_378 : vector<1x16xi32> to vector<16xi32>
    %swap3A_380 = vector.shape_cast %add3A_374 : vector<16xi32> to vector<1x16xi32>
    tpu.vector_store %arg8[%swap3A_376, %swap3A_377], %swap3A_380 {strides = array<i32>} : memref<4x128xi32, #tpu.memory_space<vmem>>, vector<1x16xi32>,
    %get3A_381 = arith.constant 2 : i32
    %get3A_382 = arith.index_cast %get3A_381 : i32 to index
    %get3A_383 = arith.constant 48 : index
    %get3A_384 = tpu.vector_load %arg6[%get3A_382, %get3A_383] {strides = array<i32>} : memref<4x128xi32, #tpu.memory_space<vmem>>, vector<1x16xi32>,
    %get3A_385 = vector.shape_cast %get3A_384 : vector<1x16xi32> to vector<16xi32>
    %mul3A_386 = arith.constant 100000 : i32
    %mul3A_387 = vector.broadcast %mul3A_386 : i32 to vector<16xi32>
    %mul3A_388 = arith.muli %get3A_385, %mul3A_387 : vector<16xi32>
    %get3A_389 = arith.constant 2 : i32
    %get3A_390 = arith.index_cast %get3A_389 : i32 to index
    %get3A_391 = arith.constant 48 : index
    %get3A_392 = tpu.vector_load %arg7[%get3A_390, %get3A_391] {strides = array<i32>} : memref<4x128xi32, #tpu.memory_space<vmem>>, vector<1x16xi32>,
    %get3A_393 = vector.shape_cast %get3A_392 : vector<1x16xi32> to vector<16xi32>
    %add3A_394 = arith.addi %mul3A_388, %get3A_393 : vector<16xi32>
    %swap3A_395 = arith.constant 2 : i32
    %swap3A_396 = arith.index_cast %swap3A_395 : i32 to index
    %swap3A_397 = arith.constant 48 : index
    %swap3A_398 = tpu.vector_load %arg8[%swap3A_396, %swap3A_397] {strides = array<i32>} : memref<4x128xi32, #tpu.memory_space<vmem>>, vector<1x16xi32>,
    %swap3A_399 = vector.shape_cast %swap3A_398 : vector<1x16xi32> to vector<16xi32>
    %swap3A_400 = vector.shape_cast %add3A_394 : vector<16xi32> to vector<1x16xi32>
    tpu.vector_store %arg8[%swap3A_396, %swap3A_397], %swap3A_400 {strides = array<i32>} : memref<4x128xi32, #tpu.memory_space<vmem>>, vector<1x16xi32>,
    %get3A_401 = arith.constant 2 : i32
    %get3A_402 = arith.index_cast %get3A_401 : i32 to index
    %get3A_403 = arith.constant 64 : index
    %get3A_404 = tpu.vector_load %arg6[%get3A_402, %get3A_403] {strides = array<i32>} : memref<4x128xi32, #tpu.memory_space<vmem>>, vector<1x16xi32>,
    %get3A_405 = vector.shape_cast %get3A_404 : vector<1x16xi32> to vector<16xi32>
    %mul3A_406 = arith.constant 100000 : i32
    %mul3A_407 = vector.broadcast %mul3A_406 : i32 to vector<16xi32>
    %mul3A_408 = arith.muli %get3A_405, %mul3A_407 : vector<16xi32>
    %get3A_409 = arith.constant 2 : i32
    %get3A_410 = arith.index_cast %get3A_409 : i32 to index
    %get3A_411 = arith.constant 64 : index
    %get3A_412 = tpu.vector_load %arg7[%get3A_410, %get3A_411] {strides = array<i32>} : memref<4x128xi32, #tpu.memory_space<vmem>>, vector<1x16xi32>,
    %get3A_413 = vector.shape_cast %get3A_412 : vector<1x16xi32> to vector<16xi32>
    %add3A_414 = arith.addi %mul3A_408, %get3A_413 : vector<16xi32>
    %swap3A_415 = arith.constant 2 : i32
    %swap3A_416 = arith.index_cast %swap3A_415 : i32 to index
    %swap3A_417 = arith.constant 64 : index
    %swap3A_418 = tpu.vector_load %arg8[%swap3A_416, %swap3A_417] {strides = array<i32>} : memref<4x128xi32, #tpu.memory_space<vmem>>, vector<1x16xi32>,
    %swap3A_419 = vector.shape_cast %swap3A_418 : vector<1x16xi32> to vector<16xi32>
    %swap3A_420 = vector.shape_cast %add3A_414 : vector<16xi32> to vector<1x16xi32>
    tpu.vector_store %arg8[%swap3A_416, %swap3A_417], %swap3A_420 {strides = array<i32>} : memref<4x128xi32, #tpu.memory_space<vmem>>, vector<1x16xi32>,
    %get3A_421 = arith.constant 2 : i32
    %get3A_422 = arith.index_cast %get3A_421 : i32 to index
    %get3A_423 = arith.constant 80 : index
    %get3A_424 = tpu.vector_load %arg6[%get3A_422, %get3A_423] {strides = array<i32>} : memref<4x128xi32, #tpu.memory_space<vmem>>, vector<1x16xi32>,
    %get3A_425 = vector.shape_cast %get3A_424 : vector<1x16xi32> to vector<16xi32>
    %mul3A_426 = arith.constant 100000 : i32
    %mul3A_427 = vector.broadcast %mul3A_426 : i32 to vector<16xi32>
    %mul3A_428 = arith.muli %get3A_425, %mul3A_427 : vector<16xi32>
    %get3A_429 = arith.constant 2 : i32
    %get3A_430 = arith.index_cast %get3A_429 : i32 to index
    %get3A_431 = arith.constant 80 : index
    %get3A_432 = tpu.vector_load %arg7[%get3A_430, %get3A_431] {strides = array<i32>} : memref<4x128xi32, #tpu.memory_space<vmem>>, vector<1x16xi32>,
    %get3A_433 = vector.shape_cast %get3A_432 : vector<1x16xi32> to vector<16xi32>
    %add3A_434 = arith.addi %mul3A_428, %get3A_433 : vector<16xi32>
    %swap3A_435 = arith.constant 2 : i32
    %swap3A_436 = arith.index_cast %swap3A_435 : i32 to index
    %swap3A_437 = arith.constant 80 : index
    %swap3A_438 = tpu.vector_load %arg8[%swap3A_436, %swap3A_437] {strides = array<i32>} : memref<4x128xi32, #tpu.memory_space<vmem>>, vector<1x16xi32>,
    %swap3A_439 = vector.shape_cast %swap3A_438 : vector<1x16xi32> to vector<16xi32>
    %swap3A_440 = vector.shape_cast %add3A_434 : vector<16xi32> to vector<1x16xi32>
    tpu.vector_store %arg8[%swap3A_436, %swap3A_437], %swap3A_440 {strides = array<i32>} : memref<4x128xi32, #tpu.memory_space<vmem>>, vector<1x16xi32>,
    %get3A_441 = arith.constant 2 : i32
    %get3A_442 = arith.index_cast %get3A_441 : i32 to index
    %get3A_443 = arith.constant 96 : index
    %get3A_444 = tpu.vector_load %arg6[%get3A_442, %get3A_443] {strides = array<i32>} : memref<4x128xi32, #tpu.memory_space<vmem>>, vector<1x16xi32>,
    %get3A_445 = vector.shape_cast %get3A_444 : vector<1x16xi32> to vector<16xi32>
    %mul3A_446 = arith.constant 100000 : i32
    %mul3A_447 = vector.broadcast %mul3A_446 : i32 to vector<16xi32>
    %mul3A_448 = arith.muli %get3A_445, %mul3A_447 : vector<16xi32>
    %get3A_449 = arith.constant 2 : i32
    %get3A_450 = arith.index_cast %get3A_449 : i32 to index
    %get3A_451 = arith.constant 96 : index
    %get3A_452 = tpu.vector_load %arg7[%get3A_450, %get3A_451] {strides = array<i32>} : memref<4x128xi32, #tpu.memory_space<vmem>>, vector<1x16xi32>,
    %get3A_453 = vector.shape_cast %get3A_452 : vector<1x16xi32> to vector<16xi32>
    %add3A_454 = arith.addi %mul3A_448, %get3A_453 : vector<16xi32>
    %swap3A_455 = arith.constant 2 : i32
    %swap3A_456 = arith.index_cast %swap3A_455 : i32 to index
    %swap3A_457 = arith.constant 96 : index
    %swap3A_458 = tpu.vector_load %arg8[%swap3A_456, %swap3A_457] {strides = array<i32>} : memref<4x128xi32, #tpu.memory_space<vmem>>, vector<1x16xi32>,
    %swap3A_459 = vector.shape_cast %swap3A_458 : vector<1x16xi32> to vector<16xi32>
    %swap3A_460 = vector.shape_cast %add3A_454 : vector<16xi32> to vector<1x16xi32>
    tpu.vector_store %arg8[%swap3A_456, %swap3A_457], %swap3A_460 {strides = array<i32>} : memref<4x128xi32, #tpu.memory_space<vmem>>, vector<1x16xi32>,
    %get3A_461 = arith.constant 2 : i32
    %get3A_462 = arith.index_cast %get3A_461 : i32 to index
    %get3A_463 = arith.constant 112 : index
    %get3A_464 = tpu.vector_load %arg6[%get3A_462, %get3A_463] {strides = array<i32>} : memref<4x128xi32, #tpu.memory_space<vmem>>, vector<1x16xi32>,
    %get3A_465 = vector.shape_cast %get3A_464 : vector<1x16xi32> to vector<16xi32>
    %mul3A_466 = arith.constant 100000 : i32
    %mul3A_467 = vector.broadcast %mul3A_466 : i32 to vector<16xi32>
    %mul3A_468 = arith.muli %get3A_465, %mul3A_467 : vector<16xi32>
    %get3A_469 = arith.constant 2 : i32
    %get3A_470 = arith.index_cast %get3A_469 : i32 to index
    %get3A_471 = arith.constant 112 : index
    %get3A_472 = tpu.vector_load %arg7[%get3A_470, %get3A_471] {strides = array<i32>} : memref<4x128xi32, #tpu.memory_space<vmem>>, vector<1x16xi32>,
    %get3A_473 = vector.shape_cast %get3A_472 : vector<1x16xi32> to vector<16xi32>
    %add3A_474 = arith.addi %mul3A_468, %get3A_473 : vector<16xi32>
    %swap3A_475 = arith.constant 2 : i32
    %swap3A_476 = arith.index_cast %swap3A_475 : i32 to index
    %swap3A_477 = arith.constant 112 : index
    %swap3A_478 = tpu.vector_load %arg8[%swap3A_476, %swap3A_477] {strides = array<i32>} : memref<4x128xi32, #tpu.memory_space<vmem>>, vector<1x16xi32>,
    %swap3A_479 = vector.shape_cast %swap3A_478 : vector<1x16xi32> to vector<16xi32>
    %swap3A_480 = vector.shape_cast %add3A_474 : vector<16xi32> to vector<1x16xi32>
    tpu.vector_store %arg8[%swap3A_476, %swap3A_477], %swap3A_480 {strides = array<i32>} : memref<4x128xi32, #tpu.memory_space<vmem>>, vector<1x16xi32>,
    %get3A_481 = arith.constant 3 : i32
    %get3A_482 = arith.index_cast %get3A_481 : i32 to index
    %get3A_483 = arith.constant 0 : index
    %get3A_484 = tpu.vector_load %arg6[%get3A_482, %get3A_483] {strides = array<i32>} : memref<4x128xi32, #tpu.memory_space<vmem>>, vector<1x16xi32>,
    %get3A_485 = vector.shape_cast %get3A_484 : vector<1x16xi32> to vector<16xi32>
    %mul3A_486 = arith.constant 100000 : i32
    %mul3A_487 = vector.broadcast %mul3A_486 : i32 to vector<16xi32>
    %mul3A_488 = arith.muli %get3A_485, %mul3A_487 : vector<16xi32>
    %get3A_489 = arith.constant 3 : i32
    %get3A_490 = arith.index_cast %get3A_489 : i32 to index
    %get3A_491 = arith.constant 0 : index
    %get3A_492 = tpu.vector_load %arg7[%get3A_490, %get3A_491] {strides = array<i32>} : memref<4x128xi32, #tpu.memory_space<vmem>>, vector<1x16xi32>,
    %get3A_493 = vector.shape_cast %get3A_492 : vector<1x16xi32> to vector<16xi32>
    %add3A_494 = arith.addi %mul3A_488, %get3A_493 : vector<16xi32>
    %swap3A_495 = arith.constant 3 : i32
    %swap3A_496 = arith.index_cast %swap3A_495 : i32 to index
    %swap3A_497 = arith.constant 0 : index
    %swap3A_498 = tpu.vector_load %arg8[%swap3A_496, %swap3A_497] {strides = array<i32>} : memref<4x128xi32, #tpu.memory_space<vmem>>, vector<1x16xi32>,
    %swap3A_499 = vector.shape_cast %swap3A_498 : vector<1x16xi32> to vector<16xi32>
    %swap3A_500 = vector.shape_cast %add3A_494 : vector<16xi32> to vector<1x16xi32>
    tpu.vector_store %arg8[%swap3A_496, %swap3A_497], %swap3A_500 {strides = array<i32>} : memref<4x128xi32, #tpu.memory_space<vmem>>, vector<1x16xi32>,
    %get3A_501 = arith.constant 3 : i32
    %get3A_502 = arith.index_cast %get3A_501 : i32 to index
    %get3A_503 = arith.constant 16 : index
    %get3A_504 = tpu.vector_load %arg6[%get3A_502, %get3A_503] {strides = array<i32>} : memref<4x128xi32, #tpu.memory_space<vmem>>, vector<1x16xi32>,
    %get3A_505 = vector.shape_cast %get3A_504 : vector<1x16xi32> to vector<16xi32>
    %mul3A_506 = arith.constant 100000 : i32
    %mul3A_507 = vector.broadcast %mul3A_506 : i32 to vector<16xi32>
    %mul3A_508 = arith.muli %get3A_505, %mul3A_507 : vector<16xi32>
    %get3A_509 = arith.constant 3 : i32
    %get3A_510 = arith.index_cast %get3A_509 : i32 to index
    %get3A_511 = arith.constant 16 : index
    %get3A_512 = tpu.vector_load %arg7[%get3A_510, %get3A_511] {strides = array<i32>} : memref<4x128xi32, #tpu.memory_space<vmem>>, vector<1x16xi32>,
    %get3A_513 = vector.shape_cast %get3A_512 : vector<1x16xi32> to vector<16xi32>
    %add3A_514 = arith.addi %mul3A_508, %get3A_513 : vector<16xi32>
    %swap3A_515 = arith.constant 3 : i32
    %swap3A_516 = arith.index_cast %swap3A_515 : i32 to index
    %swap3A_517 = arith.constant 16 : index
    %swap3A_518 = tpu.vector_load %arg8[%swap3A_516, %swap3A_517] {strides = array<i32>} : memref<4x128xi32, #tpu.memory_space<vmem>>, vector<1x16xi32>,
    %swap3A_519 = vector.shape_cast %swap3A_518 : vector<1x16xi32> to vector<16xi32>
    %swap3A_520 = vector.shape_cast %add3A_514 : vector<16xi32> to vector<1x16xi32>
    tpu.vector_store %arg8[%swap3A_516, %swap3A_517], %swap3A_520 {strides = array<i32>} : memref<4x128xi32, #tpu.memory_space<vmem>>, vector<1x16xi32>,
    %get3A_521 = arith.constant 3 : i32
    %get3A_522 = arith.index_cast %get3A_521 : i32 to index
    %get3A_523 = arith.constant 32 : index
    %get3A_524 = tpu.vector_load %arg6[%get3A_522, %get3A_523] {strides = array<i32>} : memref<4x128xi32, #tpu.memory_space<vmem>>, vector<1x16xi32>,
    %get3A_525 = vector.shape_cast %get3A_524 : vector<1x16xi32> to vector<16xi32>
    %mul3A_526 = arith.constant 100000 : i32
    %mul3A_527 = vector.broadcast %mul3A_526 : i32 to vector<16xi32>
    %mul3A_528 = arith.muli %get3A_525, %mul3A_527 : vector<16xi32>
    %get3A_529 = arith.constant 3 : i32
    %get3A_530 = arith.index_cast %get3A_529 : i32 to index
    %get3A_531 = arith.constant 32 : index
    %get3A_532 = tpu.vector_load %arg7[%get3A_530, %get3A_531] {strides = array<i32>} : memref<4x128xi32, #tpu.memory_space<vmem>>, vector<1x16xi32>,
    %get3A_533 = vector.shape_cast %get3A_532 : vector<1x16xi32> to vector<16xi32>
    %add3A_534 = arith.addi %mul3A_528, %get3A_533 : vector<16xi32>
    %swap3A_535 = arith.constant 3 : i32
    %swap3A_536 = arith.index_cast %swap3A_535 : i32 to index
    %swap3A_537 = arith.constant 32 : index
    %swap3A_538 = tpu.vector_load %arg8[%swap3A_536, %swap3A_537] {strides = array<i32>} : memref<4x128xi32, #tpu.memory_space<vmem>>, vector<1x16xi32>,
    %swap3A_539 = vector.shape_cast %swap3A_538 : vector<1x16xi32> to vector<16xi32>
    %swap3A_540 = vector.shape_cast %add3A_534 : vector<16xi32> to vector<1x16xi32>
    tpu.vector_store %arg8[%swap3A_536, %swap3A_537], %swap3A_540 {strides = array<i32>} : memref<4x128xi32, #tpu.memory_space<vmem>>, vector<1x16xi32>,
    %get3A_541 = arith.constant 3 : i32
    %get3A_542 = arith.index_cast %get3A_541 : i32 to index
    %get3A_543 = arith.constant 48 : index
    %get3A_544 = tpu.vector_load %arg6[%get3A_542, %get3A_543] {strides = array<i32>} : memref<4x128xi32, #tpu.memory_space<vmem>>, vector<1x16xi32>,
    %get3A_545 = vector.shape_cast %get3A_544 : vector<1x16xi32> to vector<16xi32>
    %mul3A_546 = arith.constant 100000 : i32
    %mul3A_547 = vector.broadcast %mul3A_546 : i32 to vector<16xi32>
    %mul3A_548 = arith.muli %get3A_545, %mul3A_547 : vector<16xi32>
    %get3A_549 = arith.constant 3 : i32
    %get3A_550 = arith.index_cast %get3A_549 : i32 to index
    %get3A_551 = arith.constant 48 : index
    %get3A_552 = tpu.vector_load %arg7[%get3A_550, %get3A_551] {strides = array<i32>} : memref<4x128xi32, #tpu.memory_space<vmem>>, vector<1x16xi32>,
    %get3A_553 = vector.shape_cast %get3A_552 : vector<1x16xi32> to vector<16xi32>
    %add3A_554 = arith.addi %mul3A_548, %get3A_553 : vector<16xi32>
    %swap3A_555 = arith.constant 3 : i32
    %swap3A_556 = arith.index_cast %swap3A_555 : i32 to index
    %swap3A_557 = arith.constant 48 : index
    %swap3A_558 = tpu.vector_load %arg8[%swap3A_556, %swap3A_557] {strides = array<i32>} : memref<4x128xi32, #tpu.memory_space<vmem>>, vector<1x16xi32>,
    %swap3A_559 = vector.shape_cast %swap3A_558 : vector<1x16xi32> to vector<16xi32>
    %swap3A_560 = vector.shape_cast %add3A_554 : vector<16xi32> to vector<1x16xi32>
    tpu.vector_store %arg8[%swap3A_556, %swap3A_557], %swap3A_560 {strides = array<i32>} : memref<4x128xi32, #tpu.memory_space<vmem>>, vector<1x16xi32>,
    %get3A_561 = arith.constant 3 : i32
    %get3A_562 = arith.index_cast %get3A_561 : i32 to index
    %get3A_563 = arith.constant 64 : index
    %get3A_564 = tpu.vector_load %arg6[%get3A_562, %get3A_563] {strides = array<i32>} : memref<4x128xi32, #tpu.memory_space<vmem>>, vector<1x16xi32>,
    %get3A_565 = vector.shape_cast %get3A_564 : vector<1x16xi32> to vector<16xi32>
    %mul3A_566 = arith.constant 100000 : i32
    %mul3A_567 = vector.broadcast %mul3A_566 : i32 to vector<16xi32>
    %mul3A_568 = arith.muli %get3A_565, %mul3A_567 : vector<16xi32>
    %get3A_569 = arith.constant 3 : i32
    %get3A_570 = arith.index_cast %get3A_569 : i32 to index
    %get3A_571 = arith.constant 64 : index
    %get3A_572 = tpu.vector_load %arg7[%get3A_570, %get3A_571] {strides = array<i32>} : memref<4x128xi32, #tpu.memory_space<vmem>>, vector<1x16xi32>,
    %get3A_573 = vector.shape_cast %get3A_572 : vector<1x16xi32> to vector<16xi32>
    %add3A_574 = arith.addi %mul3A_568, %get3A_573 : vector<16xi32>
    %swap3A_575 = arith.constant 3 : i32
    %swap3A_576 = arith.index_cast %swap3A_575 : i32 to index
    %swap3A_577 = arith.constant 64 : index
    %swap3A_578 = tpu.vector_load %arg8[%swap3A_576, %swap3A_577] {strides = array<i32>} : memref<4x128xi32, #tpu.memory_space<vmem>>, vector<1x16xi32>,
    %swap3A_579 = vector.shape_cast %swap3A_578 : vector<1x16xi32> to vector<16xi32>
    %swap3A_580 = vector.shape_cast %add3A_574 : vector<16xi32> to vector<1x16xi32>
    tpu.vector_store %arg8[%swap3A_576, %swap3A_577], %swap3A_580 {strides = array<i32>} : memref<4x128xi32, #tpu.memory_space<vmem>>, vector<1x16xi32>,
    %get3A_581 = arith.constant 3 : i32
    %get3A_582 = arith.index_cast %get3A_581 : i32 to index
    %get3A_583 = arith.constant 80 : index
    %get3A_584 = tpu.vector_load %arg6[%get3A_582, %get3A_583] {strides = array<i32>} : memref<4x128xi32, #tpu.memory_space<vmem>>, vector<1x16xi32>,
    %get3A_585 = vector.shape_cast %get3A_584 : vector<1x16xi32> to vector<16xi32>
    %mul3A_586 = arith.constant 100000 : i32
    %mul3A_587 = vector.broadcast %mul3A_586 : i32 to vector<16xi32>
    %mul3A_588 = arith.muli %get3A_585, %mul3A_587 : vector<16xi32>
    %get3A_589 = arith.constant 3 : i32
    %get3A_590 = arith.index_cast %get3A_589 : i32 to index
    %get3A_591 = arith.constant 80 : index
    %get3A_592 = tpu.vector_load %arg7[%get3A_590, %get3A_591] {strides = array<i32>} : memref<4x128xi32, #tpu.memory_space<vmem>>, vector<1x16xi32>,
    %get3A_593 = vector.shape_cast %get3A_592 : vector<1x16xi32> to vector<16xi32>
    %add3A_594 = arith.addi %mul3A_588, %get3A_593 : vector<16xi32>
    %swap3A_595 = arith.constant 3 : i32
    %swap3A_596 = arith.index_cast %swap3A_595 : i32 to index
    %swap3A_597 = arith.constant 80 : index
    %swap3A_598 = tpu.vector_load %arg8[%swap3A_596, %swap3A_597] {strides = array<i32>} : memref<4x128xi32, #tpu.memory_space<vmem>>, vector<1x16xi32>,
    %swap3A_599 = vector.shape_cast %swap3A_598 : vector<1x16xi32> to vector<16xi32>
    %swap3A_600 = vector.shape_cast %add3A_594 : vector<16xi32> to vector<1x16xi32>
    tpu.vector_store %arg8[%swap3A_596, %swap3A_597], %swap3A_600 {strides = array<i32>} : memref<4x128xi32, #tpu.memory_space<vmem>>, vector<1x16xi32>,
    %get3A_601 = arith.constant 3 : i32
    %get3A_602 = arith.index_cast %get3A_601 : i32 to index
    %get3A_603 = arith.constant 96 : index
    %get3A_604 = tpu.vector_load %arg6[%get3A_602, %get3A_603] {strides = array<i32>} : memref<4x128xi32, #tpu.memory_space<vmem>>, vector<1x16xi32>,
    %get3A_605 = vector.shape_cast %get3A_604 : vector<1x16xi32> to vector<16xi32>
    %mul3A_606 = arith.constant 100000 : i32
    %mul3A_607 = vector.broadcast %mul3A_606 : i32 to vector<16xi32>
    %mul3A_608 = arith.muli %get3A_605, %mul3A_607 : vector<16xi32>
    %get3A_609 = arith.constant 3 : i32
    %get3A_610 = arith.index_cast %get3A_609 : i32 to index
    %get3A_611 = arith.constant 96 : index
    %get3A_612 = tpu.vector_load %arg7[%get3A_610, %get3A_611] {strides = array<i32>} : memref<4x128xi32, #tpu.memory_space<vmem>>, vector<1x16xi32>,
    %get3A_613 = vector.shape_cast %get3A_612 : vector<1x16xi32> to vector<16xi32>
    %add3A_614 = arith.addi %mul3A_608, %get3A_613 : vector<16xi32>
    %swap3A_615 = arith.constant 3 : i32
    %swap3A_616 = arith.index_cast %swap3A_615 : i32 to index
    %swap3A_617 = arith.constant 96 : index
    %swap3A_618 = tpu.vector_load %arg8[%swap3A_616, %swap3A_617] {strides = array<i32>} : memref<4x128xi32, #tpu.memory_space<vmem>>, vector<1x16xi32>,
    %swap3A_619 = vector.shape_cast %swap3A_618 : vector<1x16xi32> to vector<16xi32>
    %swap3A_620 = vector.shape_cast %add3A_614 : vector<16xi32> to vector<1x16xi32>
    tpu.vector_store %arg8[%swap3A_616, %swap3A_617], %swap3A_620 {strides = array<i32>} : memref<4x128xi32, #tpu.memory_space<vmem>>, vector<1x16xi32>,
    %get3A_621 = arith.constant 3 : i32
    %get3A_622 = arith.index_cast %get3A_621 : i32 to index
    %get3A_623 = arith.constant 112 : index
    %get3A_624 = tpu.vector_load %arg6[%get3A_622, %get3A_623] {strides = array<i32>} : memref<4x128xi32, #tpu.memory_space<vmem>>, vector<1x16xi32>,
    %get3A_625 = vector.shape_cast %get3A_624 : vector<1x16xi32> to vector<16xi32>
    %mul3A_626 = arith.constant 100000 : i32
    %mul3A_627 = vector.broadcast %mul3A_626 : i32 to vector<16xi32>
    %mul3A_628 = arith.muli %get3A_625, %mul3A_627 : vector<16xi32>
    %get3A_629 = arith.constant 3 : i32
    %get3A_630 = arith.index_cast %get3A_629 : i32 to index
    %get3A_631 = arith.constant 112 : index
    %get3A_632 = tpu.vector_load %arg7[%get3A_630, %get3A_631] {strides = array<i32>} : memref<4x128xi32, #tpu.memory_space<vmem>>, vector<1x16xi32>,
    %get3A_633 = vector.shape_cast %get3A_632 : vector<1x16xi32> to vector<16xi32>
    %add3A_634 = arith.addi %mul3A_628, %get3A_633 : vector<16xi32>
    %swap3A_635 = arith.constant 3 : i32
    %swap3A_636 = arith.index_cast %swap3A_635 : i32 to index
    %swap3A_637 = arith.constant 112 : index
    %swap3A_638 = tpu.vector_load %arg8[%swap3A_636, %swap3A_637] {strides = array<i32>} : memref<4x128xi32, #tpu.memory_space<vmem>>, vector<1x16xi32>,
    %swap3A_639 = vector.shape_cast %swap3A_638 : vector<1x16xi32> to vector<16xi32>
    %swap3A_640 = vector.shape_cast %add3A_634 : vector<16xi32> to vector<1x16xi32>
    tpu.vector_store %arg8[%swap3A_636, %swap3A_637], %swap3A_640 {strides = array<i32>} : memref<4x128xi32, #tpu.memory_space<vmem>>, vector<1x16xi32>,
    %dma_start3A = arith.constant 0 : i32
    %dma_start3A_641 = arith.constant 0 : i32
    %dma_start3A_642 = arith.constant 0 : i32
    %dma_start3A_643 = tpu.memref_slice %arg9[%dma_start3A_641, %dma_start3A_642] : memref<4x128xf32, #tpu.memory_space<vmem>> -> memref<1x128xf32, #tpu.memory_space<vmem>>
    %dma_start3A_644 = tpu.memref_squeeze %dma_start3A_643 : memref<1x128xf32, #tpu.memory_space<vmem>> -> memref<128xf32, #tpu.memory_space<vmem>>
    %dma_start3A_645 = arith.constant 0 : i32
    %dma_start3A_646 = tpu.memref_slice %arg8[%dma_start3A, %dma_start3A_645] : memref<4x128xi32, #tpu.memory_space<vmem>> -> memref<1x128xi32, #tpu.memory_space<vmem>>
    %dma_start3A_647 = tpu.memref_squeeze %dma_start3A_646 : memref<1x128xi32, #tpu.memory_space<vmem>> -> memref<128xi32, #tpu.memory_space<vmem>>
    %dma_start3A_648 = arith.constant 0 : i32
    %dma_start3A_649 = tpu.memref_slice %arg2[%dma_start3A_648] : memref<25600000xf32, #tpu.memory_space<hbm>> -> memref<25600000xf32, #tpu.memory_space<hbm>>
    tpu.enqueue_indirect_dma source(%dma_start3A_649 : memref<25600000xf32, #tpu.memory_space<hbm>>) target(%dma_start3A_644 : memref<128xf32, #tpu.memory_space<vmem>>) offsets(%dma_start3A_647 : memref<128xi32, #tpu.memory_space<vmem>>) semaphore(%arg10 : memref<!tpu.dma_semaphore, #tpu.memory_space<semaphore_mem>>)
    %dma_start3A_650 = arith.constant 1 : i32
    %dma_start3A_651 = arith.constant 1 : i32
    %dma_start3A_652 = arith.constant 0 : i32
    %dma_start3A_653 = tpu.memref_slice %arg9[%dma_start3A_651, %dma_start3A_652] : memref<4x128xf32, #tpu.memory_space<vmem>> -> memref<1x128xf32, #tpu.memory_space<vmem>>
    %dma_start3A_654 = tpu.memref_squeeze %dma_start3A_653 : memref<1x128xf32, #tpu.memory_space<vmem>> -> memref<128xf32, #tpu.memory_space<vmem>>
    %dma_start3A_655 = arith.constant 0 : i32
    %dma_start3A_656 = tpu.memref_slice %arg8[%dma_start3A_650, %dma_start3A_655] : memref<4x128xi32, #tpu.memory_space<vmem>> -> memref<1x128xi32, #tpu.memory_space<vmem>>
    %dma_start3A_657 = tpu.memref_squeeze %dma_start3A_656 : memref<1x128xi32, #tpu.memory_space<vmem>> -> memref<128xi32, #tpu.memory_space<vmem>>
    %dma_start3A_658 = arith.constant 0 : i32
    %dma_start3A_659 = tpu.memref_slice %arg2[%dma_start3A_658] : memref<25600000xf32, #tpu.memory_space<hbm>> -> memref<25600000xf32, #tpu.memory_space<hbm>>
    tpu.enqueue_indirect_dma source(%dma_start3A_659 : memref<25600000xf32, #tpu.memory_space<hbm>>) target(%dma_start3A_654 : memref<128xf32, #tpu.memory_space<vmem>>) offsets(%dma_start3A_657 : memref<128xi32, #tpu.memory_space<vmem>>) semaphore(%arg10 : memref<!tpu.dma_semaphore, #tpu.memory_space<semaphore_mem>>)
    %dma_start3A_660 = arith.constant 2 : i32
    %dma_start3A_661 = arith.constant 2 : i32
    %dma_start3A_662 = arith.constant 0 : i32
    %dma_start3A_663 = tpu.memref_slice %arg9[%dma_start3A_661, %dma_start3A_662] : memref<4x128xf32, #tpu.memory_space<vmem>> -> memref<1x128xf32, #tpu.memory_space<vmem>>
    %dma_start3A_664 = tpu.memref_squeeze %dma_start3A_663 : memref<1x128xf32, #tpu.memory_space<vmem>> -> memref<128xf32, #tpu.memory_space<vmem>>
    %dma_start3A_665 = arith.constant 0 : i32
    %dma_start3A_666 = tpu.memref_slice %arg8[%dma_start3A_660, %dma_start3A_665] : memref<4x128xi32, #tpu.memory_space<vmem>> -> memref<1x128xi32, #tpu.memory_space<vmem>>
    %dma_start3A_667 = tpu.memref_squeeze %dma_start3A_666 : memref<1x128xi32, #tpu.memory_space<vmem>> -> memref<128xi32, #tpu.memory_space<vmem>>
    %dma_start3A_668 = arith.constant 0 : i32
    %dma_start3A_669 = tpu.memref_slice %arg2[%dma_start3A_668] : memref<25600000xf32, #tpu.memory_space<hbm>> -> memref<25600000xf32, #tpu.memory_space<hbm>>
    tpu.enqueue_indirect_dma source(%dma_start3A_669 : memref<25600000xf32, #tpu.memory_space<hbm>>) target(%dma_start3A_664 : memref<128xf32, #tpu.memory_space<vmem>>) offsets(%dma_start3A_667 : memref<128xi32, #tpu.memory_space<vmem>>) semaphore(%arg10 : memref<!tpu.dma_semaphore, #tpu.memory_space<semaphore_mem>>)
    %dma_start3A_670 = arith.constant 3 : i32
    %dma_start3A_671 = arith.constant 3 : i32
    %dma_start3A_672 = arith.constant 0 : i32
    %dma_start3A_673 = tpu.memref_slice %arg9[%dma_start3A_671, %dma_start3A_672] : memref<4x128xf32, #tpu.memory_space<vmem>> -> memref<1x128xf32, #tpu.memory_space<vmem>>
    %dma_start3A_674 = tpu.memref_squeeze %dma_start3A_673 : memref<1x128xf32, #tpu.memory_space<vmem>> -> memref<128xf32, #tpu.memory_space<vmem>>
    %dma_start3A_675 = arith.constant 0 : i32
    %dma_start3A_676 = tpu.memref_slice %arg8[%dma_start3A_670, %dma_start3A_675] : memref<4x128xi32, #tpu.memory_space<vmem>> -> memref<1x128xi32, #tpu.memory_space<vmem>>
    %dma_start3A_677 = tpu.memref_squeeze %dma_start3A_676 : memref<1x128xi32, #tpu.memory_space<vmem>> -> memref<128xi32, #tpu.memory_space<vmem>>
    %dma_start3A_678 = arith.constant 0 : i32
    %dma_start3A_679 = tpu.memref_slice %arg2[%dma_start3A_678] : memref<25600000xf32, #tpu.memory_space<hbm>> -> memref<25600000xf32, #tpu.memory_space<hbm>>
    tpu.enqueue_indirect_dma source(%dma_start3A_679 : memref<25600000xf32, #tpu.memory_space<hbm>>) target(%dma_start3A_674 : memref<128xf32, #tpu.memory_space<vmem>>) offsets(%dma_start3A_677 : memref<128xi32, #tpu.memory_space<vmem>>) semaphore(%arg10 : memref<!tpu.dma_semaphore, #tpu.memory_space<semaphore_mem>>)
    %dma_wait3A = arith.constant 0 : i32
    %dma_wait3A_680 = arith.constant 0 : i32
    %dma_wait3A_681 = arith.constant 0 : i32
    %dma_wait3A_682 = tpu.memref_slice %arg9[%dma_wait3A_680, %dma_wait3A_681] : memref<4x128xf32, #tpu.memory_space<vmem>> -> memref<1x128xf32, #tpu.memory_space<vmem>>
    %dma_wait3A_683 = tpu.memref_squeeze %dma_wait3A_682 : memref<1x128xf32, #tpu.memory_space<vmem>> -> memref<128xf32, #tpu.memory_space<vmem>>
    %dma_wait3A_684 = arith.constant 0 : i32
    %dma_wait3A_685 = tpu.memref_slice %arg8[%dma_wait3A, %dma_wait3A_684] : memref<4x128xi32, #tpu.memory_space<vmem>> -> memref<1x128xi32, #tpu.memory_space<vmem>>
    %dma_wait3A_686 = tpu.memref_squeeze %dma_wait3A_685 : memref<1x128xi32, #tpu.memory_space<vmem>> -> memref<128xi32, #tpu.memory_space<vmem>>
    %dma_wait3A_687 = arith.constant 0 : i32
    %dma_wait3A_688 = tpu.memref_slice %arg2[%dma_wait3A_687] : memref<25600000xf32, #tpu.memory_space<hbm>> -> memref<25600000xf32, #tpu.memory_space<hbm>>
    tpu.wait_indirect_dma semaphore(%arg10 : memref<!tpu.dma_semaphore, #tpu.memory_space<semaphore_mem>>) src(%dma_wait3A_688 : memref<25600000xf32, #tpu.memory_space<hbm>>) dst(%dma_wait3A_683 : memref<128xf32, #tpu.memory_space<vmem>>)
    %dma_wait3A_689 = arith.constant 1 : i32
    %dma_wait3A_690 = arith.constant 1 : i32
    %dma_wait3A_691 = arith.constant 0 : i32
    %dma_wait3A_692 = tpu.memref_slice %arg9[%dma_wait3A_690, %dma_wait3A_691] : memref<4x128xf32, #tpu.memory_space<vmem>> -> memref<1x128xf32, #tpu.memory_space<vmem>>
    %dma_wait3A_693 = tpu.memref_squeeze %dma_wait3A_692 : memref<1x128xf32, #tpu.memory_space<vmem>> -> memref<128xf32, #tpu.memory_space<vmem>>
    %dma_wait3A_694 = arith.constant 0 : i32
    %dma_wait3A_695 = tpu.memref_slice %arg8[%dma_wait3A_689, %dma_wait3A_694] : memref<4x128xi32, #tpu.memory_space<vmem>> -> memref<1x128xi32, #tpu.memory_space<vmem>>
    %dma_wait3A_696 = tpu.memref_squeeze %dma_wait3A_695 : memref<1x128xi32, #tpu.memory_space<vmem>> -> memref<128xi32, #tpu.memory_space<vmem>>
    %dma_wait3A_697 = arith.constant 0 : i32
    %dma_wait3A_698 = tpu.memref_slice %arg2[%dma_wait3A_697] : memref<25600000xf32, #tpu.memory_space<hbm>> -> memref<25600000xf32, #tpu.memory_space<hbm>>
    tpu.wait_indirect_dma semaphore(%arg10 : memref<!tpu.dma_semaphore, #tpu.memory_space<semaphore_mem>>) src(%dma_wait3A_698 : memref<25600000xf32, #tpu.memory_space<hbm>>) dst(%dma_wait3A_693 : memref<128xf32, #tpu.memory_space<vmem>>)
    %dma_wait3A_699 = arith.constant 2 : i32
    %dma_wait3A_700 = arith.constant 2 : i32
    %dma_wait3A_701 = arith.constant 0 : i32
    %dma_wait3A_702 = tpu.memref_slice %arg9[%dma_wait3A_700, %dma_wait3A_701] : memref<4x128xf32, #tpu.memory_space<vmem>> -> memref<1x128xf32, #tpu.memory_space<vmem>>
    %dma_wait3A_703 = tpu.memref_squeeze %dma_wait3A_702 : memref<1x128xf32, #tpu.memory_space<vmem>> -> memref<128xf32, #tpu.memory_space<vmem>>
    %dma_wait3A_704 = arith.constant 0 : i32
    %dma_wait3A_705 = tpu.memref_slice %arg8[%dma_wait3A_699, %dma_wait3A_704] : memref<4x128xi32, #tpu.memory_space<vmem>> -> memref<1x128xi32, #tpu.memory_space<vmem>>
    %dma_wait3A_706 = tpu.memref_squeeze %dma_wait3A_705 : memref<1x128xi32, #tpu.memory_space<vmem>> -> memref<128xi32, #tpu.memory_space<vmem>>
    %dma_wait3A_707 = arith.constant 0 : i32
    %dma_wait3A_708 = tpu.memref_slice %arg2[%dma_wait3A_707] : memref<25600000xf32, #tpu.memory_space<hbm>> -> memref<25600000xf32, #tpu.memory_space<hbm>>
    tpu.wait_indirect_dma semaphore(%arg10 : memref<!tpu.dma_semaphore, #tpu.memory_space<semaphore_mem>>) src(%dma_wait3A_708 : memref<25600000xf32, #tpu.memory_space<hbm>>) dst(%dma_wait3A_703 : memref<128xf32, #tpu.memory_space<vmem>>)
    %dma_wait3A_709 = arith.constant 3 : i32
    %dma_wait3A_710 = arith.constant 3 : i32
    %dma_wait3A_711 = arith.constant 0 : i32
    %dma_wait3A_712 = tpu.memref_slice %arg9[%dma_wait3A_710, %dma_wait3A_711] : memref<4x128xf32, #tpu.memory_space<vmem>> -> memref<1x128xf32, #tpu.memory_space<vmem>>
    %dma_wait3A_713 = tpu.memref_squeeze %dma_wait3A_712 : memref<1x128xf32, #tpu.memory_space<vmem>> -> memref<128xf32, #tpu.memory_space<vmem>>
    %dma_wait3A_714 = arith.constant 0 : i32
    %dma_wait3A_715 = tpu.memref_slice %arg8[%dma_wait3A_709, %dma_wait3A_714] : memref<4x128xi32, #tpu.memory_space<vmem>> -> memref<1x128xi32, #tpu.memory_space<vmem>>
    %dma_wait3A_716 = tpu.memref_squeeze %dma_wait3A_715 : memref<1x128xi32, #tpu.memory_space<vmem>> -> memref<128xi32, #tpu.memory_space<vmem>>
    %dma_wait3A_717 = arith.constant 0 : i32
    %dma_wait3A_718 = tpu.memref_slice %arg2[%dma_wait3A_717] : memref<25600000xf32, #tpu.memory_space<hbm>> -> memref<25600000xf32, #tpu.memory_space<hbm>>
    tpu.wait_indirect_dma semaphore(%arg10 : memref<!tpu.dma_semaphore, #tpu.memory_space<semaphore_mem>>) src(%dma_wait3A_718 : memref<25600000xf32, #tpu.memory_space<hbm>>) dst(%dma_wait3A_713 : memref<128xf32, #tpu.memory_space<vmem>>)
    "tpu.region"() ({
      %run_scoped3A = tpu.sem_alloc : memref<!tpu.dma_semaphore, #tpu.memory_space<semaphore_mem>>
      %dma_start3A_719 = arith.constant 0 : i32
      %dma_start3A_720 = tpu.memref_slice %arg5[%mul3A_2, %dma_start3A_719] : memref<128x128xf32, #tpu.memory_space<hbm>> -> memref<4x128xf32, #tpu.memory_space<hbm>>
      %dma_start3A_721 = arith.constant 0 : i32
      %dma_start3A_722 = tpu.memref_slice %arg5[%mul3A_2, %dma_start3A_721] : memref<128x128xf32, #tpu.memory_space<hbm>> -> memref<4x128xf32, #tpu.memory_space<hbm>>
      tpu.enqueue_dma source(%arg9 : memref<4x128xf32, #tpu.memory_space<vmem>>) target(%dma_start3A_722 : memref<4x128xf32, #tpu.memory_space<hbm>>) target_semaphore(%run_scoped3A : memref<!tpu.dma_semaphore, #tpu.memory_space<semaphore_mem>>)
      %dma_wait3A_723 = arith.constant 0 : i32
      %dma_wait3A_724 = tpu.memref_slice %arg5[%mul3A_2, %dma_wait3A_723] : memref<128x128xf32, #tpu.memory_space<hbm>> -> memref<4x128xf32, #tpu.memory_space<hbm>>
      %dma_wait3A_725 = arith.constant 0 : i32
      %dma_wait3A_726 = tpu.memref_slice %arg5[%mul3A_2, %dma_wait3A_725] : memref<128x128xf32, #tpu.memory_space<hbm>> -> memref<4x128xf32, #tpu.memory_space<hbm>>
      tpu.wait_dma2 semaphore(%run_scoped3A : memref<!tpu.dma_semaphore, #tpu.memory_space<semaphore_mem>>) src(%arg9 : memref<4x128xf32, #tpu.memory_space<vmem>>) dst(%dma_wait3A_726 : memref<4x128xf32, #tpu.memory_space<hbm>>)
      tpu.yield
    }) : () -> ()
    return
  }
}

</mosaic_0001>

<sc_bundles>
// kernel: kernel.3.cloned.1.call-start
scs
__scs_entry_jumppad:
0x0: {  	(pc) =	sbr.rel $0x88, $3  }
0x1: {  	(tag) =	ssettag $0x0;
	lr =	simm.s32 $0x1  }
0x2: {  	[smem:$0x3F9E] =	sst lr;
	_ =	strace $0xD0000000  }
0x3: {  	_ = 	snop  }
0x4: {  	_ = 	snop  }
0x5: {  	_ = 	snop  }
0x6: {  	_ = 	snop  }
0x7: {  	_ = 	snop  }
__scs_overlays_trampoline_lowered:
0x8: {  	[smem:$0x3FAD] =	sst s0  }
0x9: {  	[smem:$0x3FAE] =	sst s1  }
0xa: {  	[smem:$0x3FAF] =	sst s2  }
0xb: {  	[smem:$0x3FB0] =	sst s3  }
0xc: {  	[smem:$0x3FB1] =	sst s4  }
0xd: {  	[smem:$0x3FB2] =	sst s5  }
0xe: {  	[smem:$0x3FB3] =	sst s6  }
0xf: {  	[smem:$0x3FB4] =	sst s7  }
0x10: {  	[smem:$0x3FB5] =	sst s8  }
0x11: {  	[smem:$0x3FB6] =	sst s9;
	s0 =	simm.s32 @!p0 $0x0  }
0x12: {  	s1 =	sld [smem:$0x3F9C];
	s0 =	simm.s32 @p0 $0x1  }
0x13: {  	[smem:$0x3FB7] =	sst s0;
	s0 =	simm.s32 @!p1 $0x0  }
0x14: {  	s2 =	sld [smem:$0x3F9B];
	s0 =	simm.s32 @p1 $0x1  }
0x15: {  	[smem:$0x3FB8] =	sst s0;
	s0 =	simm.s32 @!p2 $0x0  }
0x16: {  	s3 =	sld [smem:$0x3FDB];
	s0 =	simm.s32 @p2 $0x1  }
0x17: {  	s4 =	simm.s32 $0x1BF5;
	[smem:$0x3FBA] =	sst s0  }
0x18: {  	s0 =	sld [smem:$0x3F9D];
	_ =	swait.ge [sflag:s4], $0x0  }
0x19: {  	s7 =	sld [smem:$0x3F9E]  }
0x1a: {  	s8 =	sadd.s32 $0xFFFFE003, lr  }
0x1b: {  	s9 =	sadd.s32 $0xFFFFFEF7, lr;
	s5 =	simm.s32 $0xFFFFFFFF;
	p2 =	slt.u32 s8, $0xFFFFF086  }
0x1c: {  	p1 =	slt.u32 s9, $0xF7A;
	s5 =	simm.s32 @!p2 $0x0  }
0x1d: {  	s5 =	simm.s32 @p1 $0x1;
	p0 =	seq.s32 s7, s2  }
0x1e: {  	s7 =	smul.u32 @!p0 $0xF7A, s2;
	p2 =	seq.s32 @!p0 s5, $0x0  }
0x1f: {  	s9 =	smul.u32 $0xF7A, s1;
	s8 =	simm.s32 @!p0 $0x1BF5;
	p2 =	por !p2, p0  }
0x20: {  	[sflag:s8] =	ssyncset.s32 @!p0 $0xFFFFF086;
	s6 =	sadd.s32 @!p0 s3, s7;
	s7 =	simm.s32 @!p0 $0x108  }
0x21: {  	s3 =	sadd.s32 s3, s9;
	s6 =	sadd.s32 @!p0 $0x88, s6;
	s7 =	simm.s32 @p2 $0x1082  }
0x22: {  	[simem:s7], [sflag:s8] =	dma.local @!p0 [hbm:s6], $0xF7A  }
0x23: {  	s9 =	sor.u32 $0xD0000000, s2;
	s6 =	simm.s32 $0x108;
	_ =	swait.ge @!p0 [sflag:s8], $0x0  }
0x24: {  	s3 =	sadd.s32 $0x88, s3;
	s6 =	simm.s32 @!p1 $0x1082;
	[sflag:s4] =	ssyncset.s32 $0xFFFFF086  }
0x25: {  	[simem:s6], [sflag:s4] =	dma.local [hbm:s3], $0xF7A  }
0x26: {  	[smem:$0x3F9E] =	sst s1;
	(tag) =	ssettag s2;
	_ =	strace s9  }
0x27: {  	s1 =	sld [smem:$0x3FAE]  }
0x28: {  	s2 =	sld [smem:$0x3FAF]  }
0x29: {  	s4 =	sld [smem:$0x3FB1]  }
0x2a: {  	p0 =	seq.s32 s5, $0x0;
	s5 =	sld [smem:$0x3FB2]  }
0x2b: {  	s6 =	sld [smem:$0x3FB3]  }
0x2c: {  	s7 =	sld [smem:$0x3FB4]  }
0x2d: {  	s3 =	simm.s32 $0x108;
	s8 =	sld [smem:$0x3FB5]  }
0x2e: {  	s3 =	simm.s32 @!p0 $0x1082;
	s9 =	sld [smem:$0x3FB6]  }
0x2f: {  	lr =	sadd.s32 s0, s3;
	s0 =	sld [smem:$0x3FAD]  }
0x30: {  	s3 =	sld [smem:$0x3FB0]  }
0x31: {  	[smem:$0x3FB9] =	sst s10  }
0x32: {  	s10 =	sld [smem:$0x3FB7];
	_ =	sdelay $0x3  }
0x33: {  	p0 =	seq.s32 s10, $0x1;
	s10 =	sld [smem:$0x3FB9];
	_ =	sdelay $0x3  }
0x34: {  	[smem:$0x3FB9] =	sst s10  }
0x35: {  	s10 =	sld [smem:$0x3FB8];
	_ =	sdelay $0x3  }
0x36: {  	p1 =	seq.s32 s10, $0x1;
	s10 =	sld [smem:$0x3FB9];
	_ =	sdelay $0x3  }
0x37: {  	[smem:$0x3FB9] =	sst s10  }
0x38: {  	s10 =	sld [smem:$0x3FBA]  }
0x39: {  	_ = 	snop;
	(pc) =	sbr.ind lr, $3  }
0x3a: {  	_ = 	snop  }
0x3b: {  	_ = 	snop  }
0x3c: {  	p2 =	seq.s32 s10, $0x1;
	s10 =	sld [smem:$0x3FB9]  }
0x3d: {  	_ =	shalt  }
0x3e: {  	_ =	shalt  }
0x3f: {  	_ =	shalt  }
0x40: {  	_ =	shalt  }
0x41: {  	_ =	shalt  }
0x42: {  	_ =	shalt  }
0x43: {  	_ =	shalt  }
0x44: {  	_ =	shalt  }
0x45: {  	_ =	shalt  }
0x46: {  	_ =	shalt  }
0x47: {  	_ =	shalt  }
0x48: {  	_ =	shalt  }
0x49: {  	_ =	shalt  }
0x4a: {  	_ =	shalt  }
0x4b: {  	_ =	shalt  }
0x4c: {  	_ =	shalt  }
0x4d: {  	_ =	shalt  }
0x4e: {  	_ =	shalt  }
0x4f: {  	_ =	shalt  }
0x50: {  	_ =	shalt  }
0x51: {  	_ =	shalt  }
0x52: {  	_ =	shalt  }
0x53: {  	_ =	shalt  }
0x54: {  	_ =	shalt  }
0x55: {  	_ =	shalt  }
0x56: {  	_ =	shalt  }
0x57: {  	_ =	shalt  }
0x58: {  	_ =	shalt  }
0x59: {  	_ =	shalt  }
0x5a: {  	_ =	shalt  }
0x5b: {  	_ =	shalt  }
0x5c: {  	_ =	shalt  }
0x5d: {  	_ =	shalt  }
0x5e: {  	_ =	shalt  }
0x5f: {  	_ =	shalt  }
0x60: {  	_ =	shalt  }
0x61: {  	_ =	shalt  }
0x62: {  	_ =	shalt  }
0x63: {  	_ =	shalt  }
0x64: {  	_ =	shalt  }
0x65: {  	_ =	shalt  }
0x66: {  	_ =	shalt  }
0x67: {  	_ =	shalt  }
0x68: {  	_ =	shalt  }
0x69: {  	_ =	shalt  }
0x6a: {  	_ =	shalt  }
0x6b: {  	_ =	shalt  }
0x6c: {  	_ =	shalt  }
0x6d: {  	_ =	shalt  }
0x6e: {  	_ =	shalt  }
0x6f: {  	_ =	shalt  }
0x70: {  	_ =	shalt  }
0x71: {  	_ =	shalt  }
0x72: {  	_ =	shalt  }
0x73: {  	_ =	shalt  }
0x74: {  	_ =	shalt  }
0x75: {  	_ =	shalt  }
0x76: {  	_ =	shalt  }
0x77: {  	_ =	shalt  }
0x78: {  	_ =	shalt  }
0x79: {  	_ =	shalt  }
0x7a: {  	_ =	shalt  }
0x7b: {  	_ =	shalt  }
0x7c: {  	_ =	shalt  }
0x7d: {  	_ =	shalt  }
0x7e: {  	_ =	shalt  }
0x7f: {  	_ =	shalt  }
0x80: {  	_ =	shalt  }
0x81: {  	_ =	shalt  }
0x82: {  	_ =	shalt  }
0x83: {  	_ =	shalt  }
0x84: {  	_ =	shalt  }
0x85: {  	_ =	shalt  }
0x86: {  	_ =	shalt  }
0x87: {  	_ =	shalt  }
.Lfunc_end0:
.L_simem_size_0:
called_computation_lowered:
.L_overlay_start_0:
0x88: {  	s2 =	sld [smem:$0x3FD9]  }
0x89: {  	s3 =	sld [smem:$0x3FFE];
	_ =	sdelay $0x1  }
0x8a: {  	s1 =	srdreg.scid  }
0x8b: {  	s0 =	sand.u32 $0x1, s1  }
0x8c: {  	s17 =	sshll.u32 s0, $0xA;
	s2 =	sadd.s32 s3, s2  }
0x8d: {  	s2 =	sadd.s32 s2, s17  }
0x8e: {  	[smem:$0x3FC5] =	sst s2  }
0x8f: {  	_ = 	snop  }
0x90: {  	s2 =	sld [smem:$0x3FC8]  }
0x91: {  	s18 =	sld [smem:$0x3FC7]  }
0x92: {  	s4 =	sld [smem:$0x3FD0];
	(tm) =	ssettm $0x1  }
0x93: {  	s5 =	sld [smem:$0x3FFB];
	_ =	sdelay $0x3  }
0x94: {  	_ =	strace s5  }
0x95: {  	s5 =	sld [smem:$0x3FFC];
	_ =	sdelay $0x3  }
0x96: {  	_ =	strace s5  }
0x97: {  	s5 =	sld [smem:$0x3FFD];
	_ =	sdelay $0x3  }
0x98: {  	_ =	strace s5  }
0x99: {  	_ =	strace $0x8FFFFFFF  }
0x9a: {  	s19 =	sld [smem:$0x3FDB];
	_ =	sdelay $0x1  }
0x9b: {  	s6 =	simm.s32 $_scs_section_size  }
0x9c: {  	s7 =	simm.s32 $_size__tile_overlayer_lowered;
	s8 =	simm.s32 $_tile_overlayer_lowered  }
0x9d: {  	s22 =	simm.s32 $0x1BFF;
	s21 =	sshll.u32 s8, $0x1;
	s5 =	sadd.s32 s6, s19  }
0x9e: {  	s9 =	simm.s32 $0x0;
	s20 =	sshll.u32 s7, $0x1;
	s7 =	sadd.s32 s21, s5  }
0x9f: {  	[timem:s9], [sflag:s22] =	dma.local [hbm:s7], s20  }
0xa0: {  	_ =	swait.ge [sflag:s22], s20  }
0xa1: {  	s6 =	ssub.s32 $0x0, s20;
	[sflag:s22] =	ssyncset.done $0x0  }
0xa2: {  	[sflag:s22] =	ssyncadd.s32 s6;
	_ =	sdelay $0x1  }
0xa3: {  	s23 =	simm.s32 $0x1B8B  }
0xa4: {  	_ =	swait.ge [sflag:s23], $0x1  }
0xa5: {  	[sflag:s23] =	ssyncset.done $0x0  }
0xa6: {  	s25 =	simm.s32 $0x1B8E;
	s24 =	sld [smem:$0x3FFE];
	[sflag:s23] =	ssyncadd.s32 $0xFFFFFFFF  }
0xa7: {  	s26 =	simm.s32 $execute0_lowered;
	[smem:$0x3FD2] =	sst s25  }
0xa8: {  	s7 =	sshll.u32 s26, $0x1;
	_ =	strace $0x80000046;
	[dreg:$0x1] =	wrdreg $0xFFFFFFFF  }
0xa9: {  	s28 =	simm.s32 $_size_execute0_lowered;
	s5 =	sadd.s32 s5, s7;
	[dreg:$0x0] =	wrdreg $0x0  }
0xaa: {  	s7 =	sshll.u32 s28, $0x1;
	[dreg:$0x2] =	wrdreg s5  }
0xab: {  	[dreg:$0x3] =	wrdreg s7  }
0xac: {  	[dreg:$0x4] =	wrdreg $0xC0  }
0xad: {  	_ =	task [dreg:s9], $0x5FFFF  }
0xae: {  	[dreg:$0x1] =	wrdreg $0xFFFFFFFF  }
0xaf: {  	[dreg:$0x0] =	wrdreg $0x60  }
0xb0: {  	[dreg:$0x2] =	wrdreg s24  }
0xb1: {  	[dreg:$0x3] =	wrdreg s2  }
0xb2: {  	[dreg:$0x4] =	wrdreg s18  }
0xb3: {  	[dreg:$0x5] =	wrdreg s4  }
0xb4: {  	[dreg:$0x6] =	wrdreg $0x9  }
0xb5: {  	_ =	task.clear_ibuf [dreg:s9], $0x7FFFF;
	_ =	strace $0x90000046  }
0xb6: {  	s29 =	simm.s32 $0x9;
	_ =	strace $0x80000048  }
0xb7: {  	_ =	swait.ge [sflag:s29], $0x1  }
0xb8: {  	[sflag:s29] =	ssyncadd.s32 $0xFFFFFFFF  }
0xb9: {  	_ =	strace $0x90000048  }
0xba: {  	_ =	sfence  }
0xbb: {  	s30 =	sld [smem:$0x0];
	_ =	sdelay $0x2  }
0xbc: {  	s31 =	sshll.u32 s1, $0xD;
	s1 =	sshrl.u32 s1, $0x2  }
0xbd: {  	s3 =	sand.u32 $0x4000, s31;
	s1 =	sadd.s32 s1, s30  }
0xbe: {  	s0 =	sor.u32 s3, s0;
	s1 =	sshll.u32 s1, $0x11  }
0xbf: {  	s0 =	sor.u32 s1, s0  }
0xc0: {  	s0 =	sadd.s32 $0x8F2B, s0  }
0xc1: {  	[sflag:s0] =	ssyncadd.remote.s32 $0x1  }
0xc2: {  	_ =	sfence.sel $0xFFFF  }
0xc3: {  	[dreg:$0x0] =	wrdreg $0xFFFFFFFF;
	(pc) =	sbr.abs _section_cstart, $3  }
0xc4: {  	[dreg:$0x1] =	wrdreg $0xFFFFFFFF  }
0xc5: {  	_ =	task.clear_ibuf [dreg:s9], $0x2FFFF;
	_ =	strace $0x9FFFFFFF  }
0xc6: {  	(tm) =	ssettm $0x7FFFFFFF  }
0xc7: {  	_ =	shalt  }
tec
execute0_lowered:
.L_overlay_start_1:
0x0: {  	(tag) =	ssettag $0x1  }
0x1: {  	s3 =	rddreg [dreg:$0x0]  }
0x2: {  	s4 =	rddreg [dreg:$0x1]  }
0x3: {  	s5 =	rddreg [dreg:$0x2]  }
0x4: {  	s6 =	rddreg [dreg:$0x3]  }
0x5: {  	s0 =	rddreg [dreg:$0x4];
	s2 =	simm.s32 $0x0;
	s7 =	srdreg.scid  }
0x6: {  	s1 =	stileid.u32;
	s11 =	simm.s32 $0x400;
	s12 =	simm.s32 $0x600  }
0x7: {  	s13 =	simm.s32 $0x480;
	s14 =	simm.s32 $0x680;
	s15 =	simm.s32 $0x500  }
0x8: {  	s16 =	simm.s32 $0x700;
	s17 =	simm.s32 $0x580;
	s18 =	simm.s32 $0x780  }
0x9: {  	s19 =	simm.s32 $0x1;
	[smem:$0x7FF] =	sst s2;
	s7 =	sand.u32 $0x1, s7  }
0xa: {  	s9 =	sshll.u32 s1, $0x7;
	s3 =	sadd.s32 $0x30E400, s3;
	s8 =	ssub.s32 $0x2, s7  }
0xb: {  	s7 =	sshll.u32 s7, $0x6;
	_ =	strace $0x80000047;
	s10 =	sshrl.u32 s8, $0x1  }
0xc: {  	s7 =	sor.u32 s7, s9;
	s9 =	simm.s32 $0x200;
	s8 =	ssub.s32 s8, s10  }
0xd: {  	s4 =	sadd.s32 s4, s7;
	s5 =	sadd.s32 s5, s7;
	s6 =	sadd.s32 s6, s7  }
0xe: {  	s10 =	simm.s32 $0x80;
	s7 =	smax.u32 s8, $0x1;
	s8 =	simm.s32 $0x2  }
.LBB2_1:
0xf: {  	[tilespmem:s2], [sflag:$0x2] =	stream.linear.gather [hbm4b:s4+s2], $0x200, $0x38;
	[tilespmem:$0x800] =	vst v63  }
0x10: {  	_ =	swait.ge [sflag:s8], $0x200  }
0x11: {  	[sflag:s8] =	ssyncset.done $0x0  }
0x12: {  	[sflag:s8] =	ssyncadd.s32 $0xFFFFFE00  }
0x13: {  	[tilespmem:s9], [sflag:$0x2] =	stream.linear.gather [hbm4b:s5+s2], $0x200, $0x38;
	[tilespmem:$0x800] =	vst v63  }
0x14: {  	_ =	swait.ge [sflag:s8], $0x200  }
0x15: {  	[sflag:s8] =	ssyncset.done $0x0  }
0x16: {  	[sflag:s8] =	ssyncadd.s32 $0xFFFFFE00  }
0x17: {  	v0 =	vld [tilespmem:$0x0]  }
0x18: {  	v1 =	vld [tilespmem:$0x200]  }
0x19: {  	v2 =	vld [tilespmem:$0x10]  }
0x1a: {  	v3 =	vld [tilespmem:$0x210]  }
0x1b: {  	v4 =	vld [tilespmem:$0x20]  }
0x1c: {  	v5 =	vld [tilespmem:$0x220]  }
0x1d: {  	v6 =	vld [tilespmem:$0x30]  }
0x1e: {  	v7 =	vld [tilespmem:$0x230]  }
0x1f: {  	v8 =	vld [tilespmem:$0x40]  }
0x20: {  	v9 =	vld [tilespmem:$0x240]  }
0x21: {  	v10 =	vld [tilespmem:$0x50]  }
0x22: {  	v11 =	vld [tilespmem:$0x250]  }
0x23: {  	v12 =	vld [tilespmem:$0x60]  }
0x24: {  	v13 =	vld [tilespmem:$0x260]  }
0x25: {  	v14 =	vld [tilespmem:$0x70]  }
0x26: {  	v15 =	vld [tilespmem:$0x270]  }
0x27: {  	v16 =	vld [tilespmem:$0x80]  }
0x28: {  	v17 =	vld [tilespmem:$0x280]  }
0x29: {  	v18 =	vld [tilespmem:$0x90]  }
0x2a: {  	v19 =	vld [tilespmem:$0x290]  }
0x2b: {  	v20 =	vld [tilespmem:$0xA0]  }
0x2c: {  	v21 =	vld [tilespmem:$0x2A0]  }
0x2d: {  	v22 =	vld [tilespmem:$0xB0]  }
0x2e: {  	v23 =	vld [tilespmem:$0x2B0]  }
0x2f: {  	v24 =	vld [tilespmem:$0xC0]  }
0x30: {  	v25 =	vld [tilespmem:$0x2C0]  }
0x31: {  	v26 =	vld [tilespmem:$0xD0]  }
0x32: {  	v27 =	vld [tilespmem:$0x2D0]  }
0x33: {  	v28 =	vld [tilespmem:$0xE0]  }
0x34: {  	v29 =	vld [tilespmem:$0x2E0]  }
0x35: {  	v30 =	vld [tilespmem:$0xF0]  }
0x36: {  	v31 =	vld [tilespmem:$0x2F0]  }
0x37: {  	v32 =	vld [tilespmem:$0x100]  }
0x38: {  	v33 =	vld [tilespmem:$0x300]  }
0x39: {  	v34 =	vld [tilespmem:$0x110]  }
0x3a: {  	v35 =	vld [tilespmem:$0x310];
	v0 =	vmul.u32 $0x186A0, v0  }
0x3b: {  	v36 =	vld [tilespmem:$0x120];
	v2 =	vmul.u32 $0x186A0, v2  }
0x3c: {  	v38 =	vld [tilespmem:$0x350];
	v54 =	vmul.u32 $0x186A0, v4;
	v0 =	vadd.s32 v1, v0  }
0x3d: {  	v41 =	vld [tilespmem:$0x160];
	v56 =	vmul.u32 $0x186A0, v6;
	v55 =	vadd.s32 v3, v2;
	[tilespmem:$0x400] =	vst v0  }
0x3e: {  	v44 =	vld [tilespmem:$0x360];
	v58 =	vmul.u32 $0x186A0, v8;
	v57 =	vadd.s32 v5, v54;
	[tilespmem:$0x410] =	vst v55  }
0x3f: {  	v47 =	vld [tilespmem:$0x170];
	v60 =	vmul.u32 $0x186A0, v10;
	v59 =	vadd.s32 v7, v56;
	[tilespmem:$0x420] =	vst v57  }
0x40: {  	v50 =	vld [tilespmem:$0x370];
	v62 =	vmul.u32 $0x186A0, v12;
	v61 =	vadd.s32 v9, v58;
	[tilespmem:$0x430] =	vst v59  }
0x41: {  	v53 =	vld [tilespmem:$0x180];
	v12 =	vmul.u32 $0x186A0, v14;
	v63 =	vadd.s32 v11, v60;
	[tilespmem:$0x440] =	vst v61  }
0x42: {  	v4 =	vld [tilespmem:$0x320];
	v37 =	vmul.u32 $0x186A0, v16;
	v14 =	vadd.s32 v13, v62;
	[tilespmem:$0x450] =	vst v63  }
0x43: {  	v6 =	vld [tilespmem:$0x140];
	v40 =	vmul.u32 $0x186A0, v18;
	v39 =	vadd.s32 v15, v12;
	[tilespmem:$0x460] =	vst v14  }
0x44: {  	v8 =	vld [tilespmem:$0x150];
	v43 =	vmul.u32 $0x186A0, v20;
	v42 =	vadd.s32 v17, v37;
	[tilespmem:$0x470] =	vst v39  }
0x45: {  	v46 =	vmul.u32 $0x186A0, v22;
	v22 =	vld [tilespmem:$0x1A0];
	v45 =	vadd.s32 v19, v40;
	[tilespmem:$0x480] =	vst v42  }
0x46: {  	v49 =	vmul.u32 $0x186A0, v24;
	v3 =	vld [tilespmem:$0x130];
	v48 =	vadd.s32 v21, v43;
	[tilespmem:$0x490] =	vst v45  }
0x47: {  	v24 =	vmul.u32 $0x186A0, v36;
	v36 =	vmul.u32 $0x186A0, v41;
	v5 =	vld [tilespmem:$0x330];
	v51 =	vadd.s32 v23, v46;
	[tilespmem:$0x4A0] =	vst v48  }
0x48: {  	v52 =	vmul.u32 $0x186A0, v26;
	v7 =	vld [tilespmem:$0x340];
	v54 =	vadd.s32 v25, v49;
	[tilespmem:$0x4B0] =	vst v51  }
0x49: {  	v56 =	vld [tilespmem:$0x380];
	v58 =	vmul.u32 $0x186A0, v30;
	v41 =	vadd.s32 v44, v36;
	[tilespmem:$0x4C0] =	vst v54  }
0x4a: {  	v62 =	vld [tilespmem:$0x390];
	v21 =	vmul.u32 $0x186A0, v34;
	v57 =	vadd.s32 v27, v52;
	[tilespmem:$0x560] =	vst v41  }
0x4b: {  	v25 =	vld [tilespmem:$0x3A0];
	v55 =	vmul.u32 $0x186A0, v28;
	[tilespmem:$0x4D0] =	vst v57;
	v63 =	vadd.s32 v31, v58  }
0x4c: {  	v34 =	vld [tilespmem:$0x1C0];
	v61 =	vmul.u32 $0x186A0, v32;
	v26 =	vadd.s32 v35, v21;
	[tilespmem:$0x4F0] =	vst v63  }
0x4d: {  	v37 =	vld [tilespmem:$0x3C0];
	v60 =	vadd.s32 v29, v55;
	[tilespmem:$0x510] =	vst v26  }
0x4e: {  	v40 =	vld [tilespmem:$0x1D0];
	v39 =	vmul.u32 $0x186A0, v47;
	v23 =	vadd.s32 v33, v61;
	[tilespmem:$0x4E0] =	vst v60  }
0x4f: {  	v43 =	vld [tilespmem:$0x3D0];
	v29 =	vadd.s32 v4, v24;
	v30 =	vmul.u32 $0x186A0, v6;
	[tilespmem:$0x500] =	vst v23  }
0x50: {  	v46 =	vld [tilespmem:$0x1E0];
	v33 =	vmul.u32 $0x186A0, v8;
	v44 =	vadd.s32 v50, v39;
	[tilespmem:$0x520] =	vst v29  }
0x51: {  	v59 =	vld [tilespmem:$0x190];
	v42 =	vmul.u32 $0x186A0, v53;
	[tilespmem:$0x570] =	vst v44;
	v35 =	vadd.s32 v7, v30  }
0x52: {  	v28 =	vld [tilespmem:$0x1B0];
	v48 =	vmul.u32 $0x186A0, v22;
	v38 =	vadd.s32 v38, v33;
	[tilespmem:$0x540] =	vst v35  }
0x53: {  	v49 =	vld [tilespmem:$0x1F0];
	v27 =	vmul.u32 $0x186A0, v3;
	v47 =	vadd.s32 v56, v42;
	[tilespmem:$0x550] =	vst v38  }
0x54: {  	v31 =	vld [tilespmem:$0x3B0];
	v53 =	vadd.s32 v25, v48;
	v54 =	vmul.u32 $0x186A0, v34;
	[tilespmem:$0x580] =	vst v47  }
0x55: {  	v52 =	vld [tilespmem:$0x3E0];
	v57 =	vmul.u32 $0x186A0, v40;
	[tilespmem:$0x5A0] =	vst v53;
	v32 =	vadd.s32 v5, v27  }
0x56: {  	v55 =	vld [tilespmem:$0x3F0];
	v45 =	vmul.u32 $0x186A0, v59;
	v58 =	vadd.s32 v37, v54;
	[tilespmem:$0x530] =	vst v32  }
0x57: {  	v51 =	vmul.u32 $0x186A0, v28;
	v60 =	vadd.s32 v43, v57;
	[tilespmem:$0x5C0] =	vst v58  }
0x58: {  	v59 =	vmul.u32 $0x186A0, v46;
	v50 =	vadd.s32 v62, v45;
	[tilespmem:$0x5D0] =	vst v60  }
0x59: {  	v61 =	vmul.u32 $0x186A0, v49;
	v56 =	vadd.s32 v31, v51;
	[tilespmem:$0x590] =	vst v50  }
0x5a: {  	v62 =	vadd.s32 v52, v59;
	[tilespmem:$0x5B0] =	vst v56  }
0x5b: {  	v63 =	vadd.s32 v55, v61;
	[tilespmem:$0x5E0] =	vst v62  }
0x5c: {  	[tilespmem:$0x5F0] =	vst v63  }
0x5d: {  	[tilespmem:s12], [sflag:$0x1] =	stream.indirect.gather [hbm4b:s3+s10], $0x1, s11, s10, $0xb8;
	[tilespmem:$0x800] =	vst v63  }
0x5e: {  	_ = 	snop  }
0x5f: {  	[tilespmem:s14], [sflag:$0x1] =	stream.indirect.gather [hbm4b:s3+s10], $0x1, s13, s10, $0xb8;
	[tilespmem:$0x800] =	vst v63  }
0x60: {  	_ = 	snop  }
0x61: {  	[tilespmem:s16], [sflag:$0x1] =	stream.indirect.gather [hbm4b:s3+s10], $0x1, s15, s10, $0xb8;
	[tilespmem:$0x800] =	vst v63  }
0x62: {  	_ = 	snop  }
0x63: {  	[tilespmem:s18], [sflag:$0x1] =	stream.indirect.gather [hbm4b:s3+s10], $0x1, s17, s10, $0xb8;
	[tilespmem:$0x800] =	vst v63  }
0x64: {  	_ =	swait.ge [sflag:s19], $0x80  }
0x65: {  	[sflag:s19] =	ssyncset.done $0x0  }
0x66: {  	[sflag:s19] =	ssyncadd.s32 $0xFFFFFF80  }
0x67: {  	_ =	swait.ge [sflag:s19], $0x80  }
0x68: {  	[sflag:s19] =	ssyncset.done $0x0  }
0x69: {  	[sflag:s19] =	ssyncadd.s32 $0xFFFFFF80  }
0x6a: {  	_ =	swait.ge [sflag:s19], $0x80  }
0x6b: {  	[sflag:s19] =	ssyncset.done $0x0  }
0x6c: {  	[sflag:s19] =	ssyncadd.s32 $0xFFFFFF80  }
0x6d: {  	_ =	swait.ge [sflag:s19], $0x80  }
0x6e: {  	p0 =	sne.s32 s7, $0x1;
	[sflag:s19] =	ssyncset.done $0x0  }
.Ltmp0:
0x6f: {  	[sflag:s19] =	ssyncadd.s32 $0xFFFFFF80;
	(pc) =	sbr.rel @p0 .LBB2_1-.Ltmp0, $4  }
0x70: {  	[hbm4b:s6+s2] =	stream.linear.scatter [tilespmem:s12], [sflag:$0x2], $0x200, $0x38;
	[tilespmem:$0x800] =	vst v63  }
0x71: {  	_ =	swait.ge [sflag:s8], $0x200  }
0x72: {  	[sflag:s8] =	ssyncset.done $0x0  }
0x73: {  	s7 =	sadd.s32 $0xFFFFFFFF, s7;
	[sflag:s8] =	ssyncadd.s32 $0xFFFFFE00  }
0x74: {  	_ =	sfence.sel $0x180000  }
0x75: {  	[bflag:$0x0] =	sbarrier.arrive $0xFFFF  }
0x76: {  	p0 =	sne.s32 s1, $0x0;
	_ =	strace $0x90000047  }
0x77: {  	s0 =	sadd.s32 @!p0 $0x100000, s0;
	[bflag:$0x2] =	sbarrier.arrive $0xFFFF  }
0x78: {  	[sflag:s0] =	ssyncadd.tile.s32 @!p0 $0x1;
	_ =	shalt  }
.Lfunc_end2:
_tile_overlayer_lowered:
.L_overlay_start_2:
0x79: {  	(tag) =	ssettag $0x2  }
0x7a: {  	s0 =	rddreg [dreg:$0x0];
	s2 =	stileid.u32  }
0x7b: {  	s1 =	rddreg [dreg:$0x1];
	p0 =	sne.s32 s2, $0x0  }
0x7c: {  	s3 =	rddreg [dreg:$0x2];
	[bflag:$0x3] =	sbarrier.arrive $0xFFFF;
	s2 =	simm.s32 @!p0 $0x1C02  }
0x7d: {  	[timem:s3], [sflag:s2] =	dma.local @!p0 [hbm:s0], s1  }
0x7e: {  	s0 =	simm.s32 @!p0 $0x2  }
0x7f: {  	_ =	swait.ge @!p0 [sflag:s0], s1  }
0x80: {  	s1 =	ssub.s32 @!p0 $0x0, s1;
	[sflag:s0] =	ssyncset.done @!p0 $0x0  }
0x81: {  	[sflag:s0] =	ssyncadd.s32 @!p0 s1  }
0x82: {  	[bflag:$0x3] =	sbarrier.arrive $0xFFFF  }
0x83: {  	_ =	shalt  }

</sc_bundles>
